<compile_context>
chip_gen: v7x
topology: tpu7x:2x2x1
jax: 0.10.2.dev20260603
libtpu: 0.0.44.dev20260713+nightly
codegen_flags: <defaults>
</compile_context>

<pallas_src>
import functools

import jax
import jax.numpy as jnp
from jax import lax
from jax.experimental import pallas as pl
from jax.experimental.pallas import tpu as pltpu
from jax.experimental.pallas import tpu_sc as plsc

N = 10000
E = 320000
D = 128
H = 128

NC = 2
NS = 16
NW = NC * NS
B = 50
NB_T = E // (NS * B)
RING = 5
NGRP = NB_T // RING
CH = 40
NCHUNK = N // CH
BASE_NCH = NCHUNK // NS
EXTRA_CH = NCHUNK - BASE_NCH * NS

_MESH = plsc.VectorSubcoreMesh(
    core_axis_name="c", subcore_axis_name="s", num_cores=NC, num_subcores=NS)


@functools.partial(
    pl.kernel,
    mesh=_MESH,
    out_type=(
        jax.ShapeDtypeStruct((N, H), jnp.float32),
        jax.ShapeDtypeStruct((N, H), jnp.float32),
    ),
    scratch_types=(
        pltpu.VMEM((2, RING, B), jnp.int32),
        pltpu.VMEM((2, RING, B), jnp.int32),
        [pltpu.VMEM((B, H), jnp.float32)] * RING,
        pltpu.VMEM((CH, H), jnp.float32),
        pltpu.VMEM_SHARED((N, H), jnp.float32),
        [pltpu.SemaphoreType.DMA] * RING,
        [pltpu.SemaphoreType.DMA] * RING,
        pltpu.SemaphoreType.DMA,
        pltpu.SemaphoreType.DMA,
    ),
)
def _sc_segment_sums(src_hbm, dst_hbm, h_hbm, c_hbm, hout, cout,
                     sidx, didx, rows, zbuf, acc, gsem, ssem, isem_s, isem_d):
    c_id = lax.axis_index("c")
    s_id = lax.axis_index("s")

    zeros16 = jnp.zeros((16,), jnp.float32)

    def zfill(r, carry):
        for k in range(H // 16):
            zbuf[r, pl.ds(k * 16, 16)] = zeros16
        return carry
    lax.fori_loop(0, CH, zfill, 0)

    nch = BASE_NCH + jnp.where(s_id < EXTRA_CH, 1, 0)

    def zero_chunks():
        def body(k, carry):
            r0 = (s_id + NS * k) * CH
            pltpu.sync_copy(zbuf, acc.at[pl.ds(r0, CH), :])
            return carry
        lax.fori_loop(0, nch, body, 0)

    def write_chunks(out_hbm):
        def body(k, carry):
            r0 = (s_id + NS * k) * CH
            pltpu.sync_copy(acc.at[pl.ds(r0, CH), :],
                            out_hbm.at[pl.ds(r0, CH), :])
            return carry
        lax.fori_loop(0, nch, body, 0)

    def fire_idx(g, slot):
        pltpu.async_copy(src_hbm.at[s_id, g], sidx.at[slot], isem_s)
        pltpu.async_copy(dst_hbm.at[s_id, g], didx.at[slot], isem_d)

    def wait_idx(g, slot):
        pltpu.make_async_copy(src_hbm.at[s_id, g], sidx.at[slot],
                              isem_s).wait()
        pltpu.make_async_copy(dst_hbm.at[s_id, g], didx.at[slot],
                              isem_d).wait()

    def edge_pass(table_hbm):
        def fire_gather(slot, b):
            pltpu.async_copy(table_hbm.at[sidx.at[slot, b]], rows[b], gsem[b])

        def wait_gather(slot, b):
            pltpu.make_async_copy(table_hbm.at[sidx.at[slot, b]], rows[b],
                                  gsem[b]).wait()

        def fire_scatter(slot, b):
            pltpu.async_copy(rows[b], acc.at[didx.at[slot, b]], ssem[b],
                             add=True)

        def wait_scatter(slot, b):
            pltpu.make_async_copy(rows[b], acc.at[didx.at[slot, b]],
                                  ssem[b]).wait()

        fire_idx(0, 0)
        wait_idx(0, 0)
        for b in range(RING):
            fire_gather(0, b)

        def body(g, carry):
            slot = lax.rem(g, 2)
            nslot = lax.rem(g + 1, 2)
            fire_idx(g + 1, nslot)
            for b in range(RING):
                wait_gather(slot, b)
                fire_scatter(slot, b)
            wait_idx(g + 1, nslot)
            for b in range(RING):
                wait_scatter(slot, b)
                fire_gather(nslot, b)
            return carry
        lax.fori_loop(0, NGRP - 1, body, 0)

        last = (NGRP - 1) % 2
        for b in range(RING):
            wait_gather(last, b)
            fire_scatter(last, b)
        for b in range(RING):
            wait_scatter(last, b)

    zero_chunks()
    plsc.subcore_barrier()

    @pl.when(c_id == 0)
    def _h_sweep():
        edge_pass(h_hbm)

    @pl.when(c_id == 1)
    def _c_sweep():
        edge_pass(c_hbm)

    plsc.subcore_barrier()

    @pl.when(c_id == 0)
    def _h_write():
        write_chunks(hout)

    @pl.when(c_id == 1)
    def _c_write():
        write_chunks(cout)


BLK = 2000


def _tc_body(x_ref, hp_ref, cp_ref, wf_ref, uf_ref, bf_ref,
             wiou_ref, uiou_ref, biou_ref, hnew_ref, cnew_ref):
    xb = x_ref[...]
    h_sum = hp_ref[...]
    c_sum = cp_ref[...]
    f = jax.nn.sigmoid(
        jnp.dot(xb, wf_ref[...], preferred_element_type=jnp.float32)
        + jnp.dot(h_sum, uf_ref[...], preferred_element_type=jnp.float32)
        + bf_ref[...])
    iou = (jnp.dot(xb, wiou_ref[...], preferred_element_type=jnp.float32)
           + jnp.dot(h_sum, uiou_ref[...], preferred_element_type=jnp.float32)
           + biou_ref[...])
    i = jax.nn.sigmoid(iou[:, :H])
    o = jax.nn.sigmoid(iou[:, H:2 * H])
    u = jnp.tanh(iou[:, 2 * H:])
    c_new = i * u + f * c_sum
    cnew_ref[...] = c_new
    hnew_ref[...] = o * jnp.tanh(c_new)


def _tc_dense(x, hsum_parts, csum_parts, wf_t, uf_t, b_f, wiou_t, uiou_t, b_iou):
    grid = (N // BLK,)
    return pl.pallas_call(
        _tc_body,
        grid=grid,
        in_specs=[
            pl.BlockSpec((BLK, D), lambda i: (i, 0)),
            pl.BlockSpec((BLK, H), lambda i: (i, 0)),
            pl.BlockSpec((BLK, H), lambda i: (i, 0)),
            pl.BlockSpec((D, H), lambda i: (0, 0)),
            pl.BlockSpec((H, H), lambda i: (0, 0)),
            pl.BlockSpec((1, H), lambda i: (0, 0)),
            pl.BlockSpec((D, 3 * H), lambda i: (0, 0)),
            pl.BlockSpec((H, 3 * H), lambda i: (0, 0)),
            pl.BlockSpec((1, 3 * H), lambda i: (0, 0)),
        ],
        out_specs=[
            pl.BlockSpec((BLK, H), lambda i: (i, 0)),
            pl.BlockSpec((BLK, H), lambda i: (i, 0)),
        ],
        out_shape=[
            jax.ShapeDtypeStruct((N, H), jnp.float32),
            jax.ShapeDtypeStruct((N, H), jnp.float32),
        ],
    )(x, hsum_parts, csum_parts, wf_t, uf_t, b_f, wiou_t, uiou_t, b_iou)


def kernel(x, h, c, edge_index, W_f, U_f, b_f, W_iou, U_iou, b_iou):
    src = edge_index[0].astype(jnp.int32).reshape(NS, NGRP, RING, B)
    dst = edge_index[1].astype(jnp.int32).reshape(NS, NGRP, RING, B)
    hsum_parts, csum_parts = _sc_segment_sums(src, dst, h, c)
    h_new, c_new = _tc_dense(x, hsum_parts, csum_parts,
                             W_f.T, U_f.T, b_f, W_iou.T, U_iou.T, b_iou)
    return h_new, c_new

# --- scband reference (transcript-rebuilt; emitter-appended) ---
"""Pipeline reference for scband-child-sum-tree-lstmcell-24730421691110 (READ-ONLY COPY).

The authoritative reference and input builder live on the scoring server;
editing this copy changes nothing except your own understanding.
"""

import jax, jax.numpy as jnp
import numpy as np

N = 10000
E = 320000
D = 128
H = 128

def setup_inputs(seed: int = 0) -> dict:
    key = jax.random.key(seed)
    ks = jax.random.split(key, 10)
    x = jax.random.normal(ks[0], (N, D), dtype=jnp.float32)
    h = jax.random.normal(ks[1], (N, H), dtype=jnp.float32)
    c = jax.random.normal(ks[2], (N, H), dtype=jnp.float32)
    edge_index = jax.random.randint(ks[3], (2, E), 0, N)
    W_f = jax.random.normal(ks[4], (H, D), dtype=jnp.float32) * 0.05
    U_f = jax.random.normal(ks[5], (H, H), dtype=jnp.float32) * 0.05
    b_f = jnp.zeros((1, H), dtype=jnp.float32)
    W_iou = jax.random.normal(ks[6], (3 * H, D), dtype=jnp.float32) * 0.05
    U_iou = jax.random.normal(ks[7], (3 * H, H), dtype=jnp.float32) * 0.05
    b_iou = jnp.zeros((1, 3 * H), dtype=jnp.float32)
    return {"x": x, "h": h, "c": c, "edge_index": edge_index,
            "W_f": W_f, "U_f": U_f, "b_f": b_f,
            "W_iou": W_iou, "U_iou": U_iou, "b_iou": b_iou}

def reference(x, h, c, edge_index, W_f, U_f, b_f, W_iou, U_iou, b_iou):
    # One DGL message-passing step of Child-Sum TreeLSTM over edges child(src)->parent(dst).
    n = x.shape[0]
    src = edge_index[0]
    dst = edge_index[1]
    # message_func: gather child states along edges
    h_child = jnp.take(h, src, axis=0)              # [E, H]
    c_child = jnp.take(c, src, axis=0)              # [E, H]
    # reduce_func: h_sum = sum over children per parent
    h_sum = jax.ops.segment_sum(h_child, dst, num_segments=n)  # [N, H]
    f = jax.nn.sigmoid(x @ W_f.T + h_sum @ U_f.T + b_f)        # [N, H] per-node forget gate
    # c = sum_j f * c_child_j  (f broadcast over children, realized per-edge via gather on dst)
    c_agg = jax.ops.segment_sum(jnp.take(f, dst, axis=0) * c_child, dst, num_segments=n)
    iou = x @ W_iou.T + h_sum @ U_iou.T + b_iou     # [N, 3H]
    # apply_node_func
    i, o, u = jnp.split(iou, 3, axis=1)
    i = jax.nn.sigmoid(i)
    o = jax.nn.sigmoid(o)
    u = jnp.tanh(u)
    c_new = i * u + c_agg
    h_new = o * jnp.tanh(c_new)
    return h_new, c_new

if __name__ == "__main__":
    import jax
    _d = setup_inputs()
    print(jax.jit(kernel)(*tuple(_d.values())))

</pallas_src>

<mosaic_0001>
#map = affine_map<(d0, d1) -> (0, 0, 0, 0)>
#map1 = affine_map<(d0, d1) -> (0, 0)>
module attributes {stable_mosaic.version = 14 : i64} {
  func.func @_sc_segment_sums(%arg0: i32, %arg1: i32, %arg2: memref<16x80x5x50xi32, #tpu.memory_space<hbm>>, %arg3: memref<16x80x5x50xi32, #tpu.memory_space<hbm>>, %arg4: memref<10000x128xf32, #tpu.memory_space<hbm>>, %arg5: memref<10000x128xf32, #tpu.memory_space<hbm>>, %arg6: memref<10000x128xf32, #tpu.memory_space<hbm>>, %arg7: memref<10000x128xf32, #tpu.memory_space<hbm>>, %arg8: memref<2x5x50xi32, #tpu.memory_space<vmem>>, %arg9: memref<2x5x50xi32, #tpu.memory_space<vmem>>, %arg10: memref<50x128xf32, #tpu.memory_space<vmem>>, %arg11: memref<50x128xf32, #tpu.memory_space<vmem>>, %arg12: memref<50x128xf32, #tpu.memory_space<vmem>>, %arg13: memref<50x128xf32, #tpu.memory_space<vmem>>, %arg14: memref<50x128xf32, #tpu.memory_space<vmem>>, %arg15: memref<40x128xf32, #tpu.memory_space<vmem>>, %arg16: memref<10000x128xf32, #tpu.memory_space<vmem_shared>>, %arg17: memref<!tpu.dma_semaphore, #tpu.memory_space<semaphore_mem>>, %arg18: memref<!tpu.dma_semaphore, #tpu.memory_space<semaphore_mem>>, %arg19: memref<!tpu.dma_semaphore, #tpu.memory_space<semaphore_mem>>, %arg20: memref<!tpu.dma_semaphore, #tpu.memory_space<semaphore_mem>>, %arg21: memref<!tpu.dma_semaphore, #tpu.memory_space<semaphore_mem>>, %arg22: memref<!tpu.dma_semaphore, #tpu.memory_space<semaphore_mem>>, %arg23: memref<!tpu.dma_semaphore, #tpu.memory_space<semaphore_mem>>, %arg24: memref<!tpu.dma_semaphore, #tpu.memory_space<semaphore_mem>>, %arg25: memref<!tpu.dma_semaphore, #tpu.memory_space<semaphore_mem>>, %arg26: memref<!tpu.dma_semaphore, #tpu.memory_space<semaphore_mem>>, %arg27: memref<!tpu.dma_semaphore, #tpu.memory_space<semaphore_mem>>, %arg28: memref<!tpu.dma_semaphore, #tpu.memory_space<semaphore_mem>>) attributes {dimension_semantics = [#tpu.dimension_semantics<core_parallel>, #tpu.dimension_semantics<subcore_parallel>], iteration_bounds = array<i64: 2, 16>, scalar_prefetch = 0 : i64, scratch_operands = 21 : i64, tpu.core_type = #tpu.core_type<sc_vector_subcore>, window_params = [{transform_indices = #map}, {transform_indices = #map}, {transform_indices = #map1}, {transform_indices = #map1}, {transform_indices = #map1}, {transform_indices = #map1}]} {
    %broadcast_in_dim3A = arith.constant 0.000000e+00 : f32
    %broadcast_in_dim3A_0 = vector.broadcast %broadcast_in_dim3A : f32 to vector<16xf32>
    %scan3A = arith.constant 0 : i32
    %scan3A_1 = arith.constant 0 : i32
    %scan3A_2 = arith.constant 40 : i32
    %scan3A_3 = arith.addi %scan3A_1, %scan3A_2 : i32
    %scan3A_4 = arith.constant 1 : i32
    scf.for %scan3A_36 = %scan3A_1 to %scan3A_3 step %scan3A_4  : i32 {
      %swap3A = arith.index_cast %scan3A_36 : i32 to index
      %swap3A_37 = arith.constant 0 : index
      %swap3A_38 = tpu.vector_load %arg15[%swap3A, %swap3A_37] {strides = array<i32>} : memref<40x128xf32, #tpu.memory_space<vmem>>, vector<1x16xf32>,
      %swap3A_39 = vector.shape_cast %swap3A_38 : vector<1x16xf32> to vector<16xf32>
      %swap3A_40 = vector.shape_cast %broadcast_in_dim3A_0 : vector<16xf32> to vector<1x16xf32>
      tpu.vector_store %arg15[%swap3A, %swap3A_37], %swap3A_40 {strides = array<i32>} : memref<40x128xf32, #tpu.memory_space<vmem>>, vector<1x16xf32>,
      %swap3A_41 = arith.index_cast %scan3A_36 : i32 to index
      %swap3A_42 = arith.constant 16 : index
      %swap3A_43 = tpu.vector_load %arg15[%swap3A_41, %swap3A_42] {strides = array<i32>} : memref<40x128xf32, #tpu.memory_space<vmem>>, vector<1x16xf32>,
      %swap3A_44 = vector.shape_cast %swap3A_43 : vector<1x16xf32> to vector<16xf32>
      %swap3A_45 = vector.shape_cast %broadcast_in_dim3A_0 : vector<16xf32> to vector<1x16xf32>
      tpu.vector_store %arg15[%swap3A_41, %swap3A_42], %swap3A_45 {strides = array<i32>} : memref<40x128xf32, #tpu.memory_space<vmem>>, vector<1x16xf32>,
      %swap3A_46 = arith.index_cast %scan3A_36 : i32 to index
      %swap3A_47 = arith.constant 32 : index
      %swap3A_48 = tpu.vector_load %arg15[%swap3A_46, %swap3A_47] {strides = array<i32>} : memref<40x128xf32, #tpu.memory_space<vmem>>, vector<1x16xf32>,
      %swap3A_49 = vector.shape_cast %swap3A_48 : vector<1x16xf32> to vector<16xf32>
      %swap3A_50 = vector.shape_cast %broadcast_in_dim3A_0 : vector<16xf32> to vector<1x16xf32>
      tpu.vector_store %arg15[%swap3A_46, %swap3A_47], %swap3A_50 {strides = array<i32>} : memref<40x128xf32, #tpu.memory_space<vmem>>, vector<1x16xf32>,
      %swap3A_51 = arith.index_cast %scan3A_36 : i32 to index
      %swap3A_52 = arith.constant 48 : index
      %swap3A_53 = tpu.vector_load %arg15[%swap3A_51, %swap3A_52] {strides = array<i32>} : memref<40x128xf32, #tpu.memory_space<vmem>>, vector<1x16xf32>,
      %swap3A_54 = vector.shape_cast %swap3A_53 : vector<1x16xf32> to vector<16xf32>
      %swap3A_55 = vector.shape_cast %broadcast_in_dim3A_0 : vector<16xf32> to vector<1x16xf32>
      tpu.vector_store %arg15[%swap3A_51, %swap3A_52], %swap3A_55 {strides = array<i32>} : memref<40x128xf32, #tpu.memory_space<vmem>>, vector<1x16xf32>,
      %swap3A_56 = arith.index_cast %scan3A_36 : i32 to index
      %swap3A_57 = arith.constant 64 : index
      %swap3A_58 = tpu.vector_load %arg15[%swap3A_56, %swap3A_57] {strides = array<i32>} : memref<40x128xf32, #tpu.memory_space<vmem>>, vector<1x16xf32>,
      %swap3A_59 = vector.shape_cast %swap3A_58 : vector<1x16xf32> to vector<16xf32>
      %swap3A_60 = vector.shape_cast %broadcast_in_dim3A_0 : vector<16xf32> to vector<1x16xf32>
      tpu.vector_store %arg15[%swap3A_56, %swap3A_57], %swap3A_60 {strides = array<i32>} : memref<40x128xf32, #tpu.memory_space<vmem>>, vector<1x16xf32>,
      %swap3A_61 = arith.index_cast %scan3A_36 : i32 to index
      %swap3A_62 = arith.constant 80 : index
      %swap3A_63 = tpu.vector_load %arg15[%swap3A_61, %swap3A_62] {strides = array<i32>} : memref<40x128xf32, #tpu.memory_space<vmem>>, vector<1x16xf32>,
      %swap3A_64 = vector.shape_cast %swap3A_63 : vector<1x16xf32> to vector<16xf32>
      %swap3A_65 = vector.shape_cast %broadcast_in_dim3A_0 : vector<16xf32> to vector<1x16xf32>
      tpu.vector_store %arg15[%swap3A_61, %swap3A_62], %swap3A_65 {strides = array<i32>} : memref<40x128xf32, #tpu.memory_space<vmem>>, vector<1x16xf32>,
      %swap3A_66 = arith.index_cast %scan3A_36 : i32 to index
      %swap3A_67 = arith.constant 96 : index
      %swap3A_68 = tpu.vector_load %arg15[%swap3A_66, %swap3A_67] {strides = array<i32>} : memref<40x128xf32, #tpu.memory_space<vmem>>, vector<1x16xf32>,
      %swap3A_69 = vector.shape_cast %swap3A_68 : vector<1x16xf32> to vector<16xf32>
      %swap3A_70 = vector.shape_cast %broadcast_in_dim3A_0 : vector<16xf32> to vector<1x16xf32>
      tpu.vector_store %arg15[%swap3A_66, %swap3A_67], %swap3A_70 {strides = array<i32>} : memref<40x128xf32, #tpu.memory_space<vmem>>, vector<1x16xf32>,
      %swap3A_71 = arith.index_cast %scan3A_36 : i32 to index
      %swap3A_72 = arith.constant 112 : index
      %swap3A_73 = tpu.vector_load %arg15[%swap3A_71, %swap3A_72] {strides = array<i32>} : memref<40x128xf32, #tpu.memory_space<vmem>>, vector<1x16xf32>,
      %swap3A_74 = vector.shape_cast %swap3A_73 : vector<1x16xf32> to vector<16xf32>
      %swap3A_75 = vector.shape_cast %broadcast_in_dim3A_0 : vector<16xf32> to vector<1x16xf32>
      tpu.vector_store %arg15[%swap3A_71, %swap3A_72], %swap3A_75 {strides = array<i32>} : memref<40x128xf32, #tpu.memory_space<vmem>>, vector<1x16xf32>,
    }
    %scan3A_5 = arith.constant 40 : i32
    %lt3A = arith.constant 10 : i32
    %lt3A_6 = arith.cmpi slt, %arg1, %lt3A : i32
    %jit3A = arith.constant 1 : i32
    %jit3A_7 = arith.constant 0 : i32
    %select_n3A = arith.select %lt3A_6, %jit3A, %jit3A_7 : i32
    %add3A = arith.constant 15 : i32
    %add3A_8 = arith.addi %add3A, %select_n3A : i32
    %while3A = arith.constant 0 : i32
    %while3A_9 = arith.constant 0 : i32
    %while3A_10 = arith.subi %add3A_8, %while3A_9 : i32
    %while3A_11 = arith.addi %while3A_9, %while3A_10 : i32
    %while3A_12 = arith.constant 1 : i32
    %while3A_13 = arith.divsi %while3A_10, %while3A_12 : i32
    %while3A_14 = arith.muli %while3A_13, %while3A_12 : i32
    %while3A_15 = arith.addi %while3A_9, %while3A_14 : i32
    %while3A_16 = arith.constant 1 : i32
    scf.for %while3A_36 = %while3A_9 to %while3A_15 step %while3A_16  : i32 {
      %mul3A = arith.constant 16 : i32
      %mul3A_37 = arith.muli %mul3A, %while3A_36 : i32
      %add3A_38 = arith.addi %arg1, %mul3A_37 : i32
      %mul3A_39 = arith.constant 40 : i32
      %mul3A_40 = arith.muli %add3A_38, %mul3A_39 : i32
      "tpu.region"() ({
        %run_scoped3A = tpu.sem_alloc : memref<!tpu.dma_semaphore, #tpu.memory_space<semaphore_mem>>
        %dma_start3A = arith.constant 0 : i32
        %dma_start3A_41 = tpu.memref_slice %arg16[%mul3A_40, %dma_start3A] : memref<10000x128xf32, #tpu.memory_space<vmem_shared>> -> memref<40x128xf32, #tpu.memory_space<vmem_shared>>
        %dma_start3A_42 = arith.constant 0 : i32
        %dma_start3A_43 = tpu.memref_slice %arg16[%mul3A_40, %dma_start3A_42] : memref<10000x128xf32, #tpu.memory_space<vmem_shared>> -> memref<40x128xf32, #tpu.memory_space<vmem_shared>>
        tpu.enqueue_dma source(%arg15 : memref<40x128xf32, #tpu.memory_space<vmem>>) target(%dma_start3A_43 : memref<40x128xf32, #tpu.memory_space<vmem_shared>>) target_semaphore(%run_scoped3A : memref<!tpu.dma_semaphore, #tpu.memory_space<semaphore_mem>>)
        %dma_wait3A = arith.constant 0 : i32
        %dma_wait3A_44 = tpu.memref_slice %arg16[%mul3A_40, %dma_wait3A] : memref<10000x128xf32, #tpu.memory_space<vmem_shared>> -> memref<40x128xf32, #tpu.memory_space<vmem_shared>>
        %dma_wait3A_45 = arith.constant 0 : i32
        %dma_wait3A_46 = tpu.memref_slice %arg16[%mul3A_40, %dma_wait3A_45] : memref<10000x128xf32, #tpu.memory_space<vmem_shared>> -> memref<40x128xf32, #tpu.memory_space<vmem_shared>>
        tpu.wait_dma2 semaphore(%run_scoped3A : memref<!tpu.dma_semaphore, #tpu.memory_space<semaphore_mem>>) src(%arg15 : memref<40x128xf32, #tpu.memory_space<vmem>>) dst(%dma_wait3A_46 : memref<40x128xf32, #tpu.memory_space<vmem_shared>>)
        tpu.yield
      }) : () -> ()
    }
    %while3A_17 = arith.constant 1 : i32
    scf.for %while3A_36 = %while3A_15 to %while3A_11 step %while3A_17  : i32 {
      %mul3A = arith.constant 16 : i32
      %mul3A_37 = arith.muli %mul3A, %while3A_36 : i32
      %add3A_38 = arith.addi %arg1, %mul3A_37 : i32
      %mul3A_39 = arith.constant 40 : i32
      %mul3A_40 = arith.muli %add3A_38, %mul3A_39 : i32
      "tpu.region"() ({
        %run_scoped3A = tpu.sem_alloc : memref<!tpu.dma_semaphore, #tpu.memory_space<semaphore_mem>>
        %dma_start3A = arith.constant 0 : i32
        %dma_start3A_41 = tpu.memref_slice %arg16[%mul3A_40, %dma_start3A] : memref<10000x128xf32, #tpu.memory_space<vmem_shared>> -> memref<40x128xf32, #tpu.memory_space<vmem_shared>>
        %dma_start3A_42 = arith.constant 0 : i32
        %dma_start3A_43 = tpu.memref_slice %arg16[%mul3A_40, %dma_start3A_42] : memref<10000x128xf32, #tpu.memory_space<vmem_shared>> -> memref<40x128xf32, #tpu.memory_space<vmem_shared>>
        tpu.enqueue_dma source(%arg15 : memref<40x128xf32, #tpu.memory_space<vmem>>) target(%dma_start3A_43 : memref<40x128xf32, #tpu.memory_space<vmem_shared>>) target_semaphore(%run_scoped3A : memref<!tpu.dma_semaphore, #tpu.memory_space<semaphore_mem>>)
        %dma_wait3A = arith.constant 0 : i32
        %dma_wait3A_44 = tpu.memref_slice %arg16[%mul3A_40, %dma_wait3A] : memref<10000x128xf32, #tpu.memory_space<vmem_shared>> -> memref<40x128xf32, #tpu.memory_space<vmem_shared>>
        %dma_wait3A_45 = arith.constant 0 : i32
        %dma_wait3A_46 = tpu.memref_slice %arg16[%mul3A_40, %dma_wait3A_45] : memref<10000x128xf32, #tpu.memory_space<vmem_shared>> -> memref<40x128xf32, #tpu.memory_space<vmem_shared>>
        tpu.wait_dma2 semaphore(%run_scoped3A : memref<!tpu.dma_semaphore, #tpu.memory_space<semaphore_mem>>) src(%arg15 : memref<40x128xf32, #tpu.memory_space<vmem>>) dst(%dma_wait3A_46 : memref<40x128xf32, #tpu.memory_space<vmem_shared>>)
        tpu.yield
      }) : () -> ()
    }
    %barrier3A = arith.constant 0 : index
    tpu.barrier barrier_id(%barrier3A)
    %eq3A = arith.constant 0 : i32
    %eq3A_18 = arith.cmpi eq, %arg0, %eq3A : i32
    %convert_element_type3A = arith.extui %eq3A_18 : i1 to i32
    %cond3A = arith.constant 0 : i32
    %cond3A_19 = arith.cmpi ne, %convert_element_type3A, %cond3A : i32
    scf.if %cond3A_19 {
      %dma_start3A = arith.constant 0 : i32
      %dma_start3A_36 = arith.constant 0 : i32
      %dma_start3A_37 = arith.constant 0 : i32
      %dma_start3A_38 = arith.constant 0 : i32
      %dma_start3A_39 = tpu.memref_slice %arg8[%dma_start3A_36, %dma_start3A_37, %dma_start3A_38] : memref<2x5x50xi32, #tpu.memory_space<vmem>> -> memref<1x5x50xi32, #tpu.memory_space<vmem>>
      %dma_start3A_40 = tpu.memref_squeeze %dma_start3A_39 : memref<1x5x50xi32, #tpu.memory_space<vmem>> -> memref<5x50xi32, #tpu.memory_space<vmem>>
      %dma_start3A_41 = arith.constant 0 : i32
      %dma_start3A_42 = arith.constant 0 : i32
      %dma_start3A_43 = tpu.memref_slice %arg2[%arg1, %dma_start3A, %dma_start3A_41, %dma_start3A_42] : memref<16x80x5x50xi32, #tpu.memory_space<hbm>> -> memref<1x1x5x50xi32, #tpu.memory_space<hbm>>
      %dma_start3A_44 = tpu.memref_squeeze %dma_start3A_43 : memref<1x1x5x50xi32, #tpu.memory_space<hbm>> -> memref<5x50xi32, #tpu.memory_space<hbm>>
      %dma_start3A_45 = arith.constant 0 : i32
      %dma_start3A_46 = arith.constant 0 : i32
      %dma_start3A_47 = tpu.memref_slice %arg8[%dma_start3A_36, %dma_start3A_45, %dma_start3A_46] : memref<2x5x50xi32, #tpu.memory_space<vmem>> -> memref<1x5x50xi32, #tpu.memory_space<vmem>>
      %dma_start3A_48 = tpu.memref_squeeze %dma_start3A_47 : memref<1x5x50xi32, #tpu.memory_space<vmem>> -> memref<5x50xi32, #tpu.memory_space<vmem>>
      %dma_start3A_49 = arith.constant 0 : i32
      %dma_start3A_50 = arith.constant 0 : i32
      %dma_start3A_51 = tpu.memref_slice %arg2[%arg1, %dma_start3A, %dma_start3A_49, %dma_start3A_50] : memref<16x80x5x50xi32, #tpu.memory_space<hbm>> -> memref<1x1x5x50xi32, #tpu.memory_space<hbm>>
      %dma_start3A_52 = tpu.memref_squeeze %dma_start3A_51 : memref<1x1x5x50xi32, #tpu.memory_space<hbm>> -> memref<5x50xi32, #tpu.memory_space<hbm>>
      tpu.enqueue_dma source(%dma_start3A_52 : memref<5x50xi32, #tpu.memory_space<hbm>>) target(%dma_start3A_48 : memref<5x50xi32, #tpu.memory_space<vmem>>) target_semaphore(%arg27 : memref<!tpu.dma_semaphore, #tpu.memory_space<semaphore_mem>>)
      %dma_start3A_53 = arith.constant 0 : i32
      %dma_start3A_54 = arith.constant 0 : i32
      %dma_start3A_55 = arith.constant 0 : i32
      %dma_start3A_56 = arith.constant 0 : i32
      %dma_start3A_57 = tpu.memref_slice %arg9[%dma_start3A_54, %dma_start3A_55, %dma_start3A_56] : memref<2x5x50xi32, #tpu.memory_space<vmem>> -> memref<1x5x50xi32, #tpu.memory_space<vmem>>
      %dma_start3A_58 = tpu.memref_squeeze %dma_start3A_57 : memref<1x5x50xi32, #tpu.memory_space<vmem>> -> memref<5x50xi32, #tpu.memory_space<vmem>>
      %dma_start3A_59 = arith.constant 0 : i32
      %dma_start3A_60 = arith.constant 0 : i32
      %dma_start3A_61 = tpu.memref_slice %arg3[%arg1, %dma_start3A_53, %dma_start3A_59, %dma_start3A_60] : memref<16x80x5x50xi32, #tpu.memory_space<hbm>> -> memref<1x1x5x50xi32, #tpu.memory_space<hbm>>
      %dma_start3A_62 = tpu.memref_squeeze %dma_start3A_61 : memref<1x1x5x50xi32, #tpu.memory_space<hbm>> -> memref<5x50xi32, #tpu.memory_space<hbm>>
      %dma_start3A_63 = arith.constant 0 : i32
      %dma_start3A_64 = arith.constant 0 : i32
      %dma_start3A_65 = tpu.memref_slice %arg9[%dma_start3A_54, %dma_start3A_63, %dma_start3A_64] : memref<2x5x50xi32, #tpu.memory_space<vmem>> -> memref<1x5x50xi32, #tpu.memory_space<vmem>>
      %dma_start3A_66 = tpu.memref_squeeze %dma_start3A_65 : memref<1x5x50xi32, #tpu.memory_space<vmem>> -> memref<5x50xi32, #tpu.memory_space<vmem>>
      %dma_start3A_67 = arith.constant 0 : i32
      %dma_start3A_68 = arith.constant 0 : i32
      %dma_start3A_69 = tpu.memref_slice %arg3[%arg1, %dma_start3A_53, %dma_start3A_67, %dma_start3A_68] : memref<16x80x5x50xi32, #tpu.memory_space<hbm>> -> memref<1x1x5x50xi32, #tpu.memory_space<hbm>>
      %dma_start3A_70 = tpu.memref_squeeze %dma_start3A_69 : memref<1x1x5x50xi32, #tpu.memory_space<hbm>> -> memref<5x50xi32, #tpu.memory_space<hbm>>
      tpu.enqueue_dma source(%dma_start3A_70 : memref<5x50xi32, #tpu.memory_space<hbm>>) target(%dma_start3A_66 : memref<5x50xi32, #tpu.memory_space<vmem>>) target_semaphore(%arg28 : memref<!tpu.dma_semaphore, #tpu.memory_space<semaphore_mem>>)
      %dma_wait3A = arith.constant 0 : i32
      %dma_wait3A_71 = arith.constant 0 : i32
      %dma_wait3A_72 = arith.constant 0 : i32
      %dma_wait3A_73 = arith.constant 0 : i32
      %dma_wait3A_74 = tpu.memref_slice %arg8[%dma_wait3A_71, %dma_wait3A_72, %dma_wait3A_73] : memref<2x5x50xi32, #tpu.memory_space<vmem>> -> memref<1x5x50xi32, #tpu.memory_space<vmem>>
      %dma_wait3A_75 = tpu.memref_squeeze %dma_wait3A_74 : memref<1x5x50xi32, #tpu.memory_space<vmem>> -> memref<5x50xi32, #tpu.memory_space<vmem>>
      %dma_wait3A_76 = arith.constant 0 : i32
      %dma_wait3A_77 = arith.constant 0 : i32
      %dma_wait3A_78 = tpu.memref_slice %arg2[%arg1, %dma_wait3A, %dma_wait3A_76, %dma_wait3A_77] : memref<16x80x5x50xi32, #tpu.memory_space<hbm>> -> memref<1x1x5x50xi32, #tpu.memory_space<hbm>>
      %dma_wait3A_79 = tpu.memref_squeeze %dma_wait3A_78 : memref<1x1x5x50xi32, #tpu.memory_space<hbm>> -> memref<5x50xi32, #tpu.memory_space<hbm>>
      %dma_wait3A_80 = arith.constant 0 : i32
      %dma_wait3A_81 = arith.constant 0 : i32
      %dma_wait3A_82 = tpu.memref_slice %arg8[%dma_wait3A_71, %dma_wait3A_80, %dma_wait3A_81] : memref<2x5x50xi32, #tpu.memory_space<vmem>> -> memref<1x5x50xi32, #tpu.memory_space<vmem>>
      %dma_wait3A_83 = tpu.memref_squeeze %dma_wait3A_82 : memref<1x5x50xi32, #tpu.memory_space<vmem>> -> memref<5x50xi32, #tpu.memory_space<vmem>>
      %dma_wait3A_84 = arith.constant 0 : i32
      %dma_wait3A_85 = arith.constant 0 : i32
      %dma_wait3A_86 = tpu.memref_slice %arg2[%arg1, %dma_wait3A, %dma_wait3A_84, %dma_wait3A_85] : memref<16x80x5x50xi32, #tpu.memory_space<hbm>> -> memref<1x1x5x50xi32, #tpu.memory_space<hbm>>
      %dma_wait3A_87 = tpu.memref_squeeze %dma_wait3A_86 : memref<1x1x5x50xi32, #tpu.memory_space<hbm>> -> memref<5x50xi32, #tpu.memory_space<hbm>>
      tpu.wait_dma2 semaphore(%arg27 : memref<!tpu.dma_semaphore, #tpu.memory_space<semaphore_mem>>) src(%dma_wait3A_87 : memref<5x50xi32, #tpu.memory_space<hbm>>) dst(%dma_wait3A_83 : memref<5x50xi32, #tpu.memory_space<vmem>>)
      %dma_wait3A_88 = arith.constant 0 : i32
      %dma_wait3A_89 = arith.constant 0 : i32
      %dma_wait3A_90 = arith.constant 0 : i32
      %dma_wait3A_91 = arith.constant 0 : i32
      %dma_wait3A_92 = tpu.memref_slice %arg9[%dma_wait3A_89, %dma_wait3A_90, %dma_wait3A_91] : memref<2x5x50xi32, #tpu.memory_space<vmem>> -> memref<1x5x50xi32, #tpu.memory_space<vmem>>
      %dma_wait3A_93 = tpu.memref_squeeze %dma_wait3A_92 : memref<1x5x50xi32, #tpu.memory_space<vmem>> -> memref<5x50xi32, #tpu.memory_space<vmem>>
      %dma_wait3A_94 = arith.constant 0 : i32
      %dma_wait3A_95 = arith.constant 0 : i32
      %dma_wait3A_96 = tpu.memref_slice %arg3[%arg1, %dma_wait3A_88, %dma_wait3A_94, %dma_wait3A_95] : memref<16x80x5x50xi32, #tpu.memory_space<hbm>> -> memref<1x1x5x50xi32, #tpu.memory_space<hbm>>
      %dma_wait3A_97 = tpu.memref_squeeze %dma_wait3A_96 : memref<1x1x5x50xi32, #tpu.memory_space<hbm>> -> memref<5x50xi32, #tpu.memory_space<hbm>>
      %dma_wait3A_98 = arith.constant 0 : i32
      %dma_wait3A_99 = arith.constant 0 : i32
      %dma_wait3A_100 = tpu.memref_slice %arg9[%dma_wait3A_89, %dma_wait3A_98, %dma_wait3A_99] : memref<2x5x50xi32, #tpu.memory_space<vmem>> -> memref<1x5x50xi32, #tpu.memory_space<vmem>>
      %dma_wait3A_101 = tpu.memref_squeeze %dma_wait3A_100 : memref<1x5x50xi32, #tpu.memory_space<vmem>> -> memref<5x50xi32, #tpu.memory_space<vmem>>
      %dma_wait3A_102 = arith.constant 0 : i32
      %dma_wait3A_103 = arith.constant 0 : i32
      %dma_wait3A_104 = tpu.memref_slice %arg3[%arg1, %dma_wait3A_88, %dma_wait3A_102, %dma_wait3A_103] : memref<16x80x5x50xi32, #tpu.memory_space<hbm>> -> memref<1x1x5x50xi32, #tpu.memory_space<hbm>>
      %dma_wait3A_105 = tpu.memref_squeeze %dma_wait3A_104 : memref<1x1x5x50xi32, #tpu.memory_space<hbm>> -> memref<5x50xi32, #tpu.memory_space<hbm>>
      tpu.wait_dma2 semaphore(%arg28 : memref<!tpu.dma_semaphore, #tpu.memory_space<semaphore_mem>>) src(%dma_wait3A_105 : memref<5x50xi32, #tpu.memory_space<hbm>>) dst(%dma_wait3A_101 : memref<5x50xi32, #tpu.memory_space<vmem>>)
      %dma_start3A_106 = arith.constant 0 : i32
      %dma_start3A_107 = arith.constant 0 : i32
      %dma_start3A_108 = arith.constant 0 : i32
      %dma_start3A_109 = tpu.memref_slice %arg8[%dma_start3A_106, %dma_start3A_107, %dma_start3A_108] : memref<2x5x50xi32, #tpu.memory_space<vmem>> -> memref<1x1x50xi32, #tpu.memory_space<vmem>>
      %dma_start3A_110 = tpu.memref_squeeze %dma_start3A_109 : memref<1x1x50xi32, #tpu.memory_space<vmem>> -> memref<50xi32, #tpu.memory_space<vmem>>
      %dma_start3A_111 = arith.constant 0 : i32
      %dma_start3A_112 = arith.constant 0 : i32
      %dma_start3A_113 = tpu.memref_slice %arg4[%dma_start3A_111, %dma_start3A_112] : memref<10000x128xf32, #tpu.memory_space<hbm>> -> memref<10000x128xf32, #tpu.memory_space<hbm>>
      tpu.enqueue_indirect_dma source(%dma_start3A_113 : memref<10000x128xf32, #tpu.memory_space<hbm>>) target(%arg10 : memref<50x128xf32, #tpu.memory_space<vmem>>) offsets(%dma_start3A_110 : memref<50xi32, #tpu.memory_space<vmem>>) semaphore(%arg17 : memref<!tpu.dma_semaphore, #tpu.memory_space<semaphore_mem>>)
      %dma_start3A_114 = arith.constant 0 : i32
      %dma_start3A_115 = arith.constant 1 : i32
      %dma_start3A_116 = arith.constant 0 : i32
      %dma_start3A_117 = tpu.memref_slice %arg8[%dma_start3A_114, %dma_start3A_115, %dma_start3A_116] : memref<2x5x50xi32, #tpu.memory_space<vmem>> -> memref<1x1x50xi32, #tpu.memory_space<vmem>>
      %dma_start3A_118 = tpu.memref_squeeze %dma_start3A_117 : memref<1x1x50xi32, #tpu.memory_space<vmem>> -> memref<50xi32, #tpu.memory_space<vmem>>
      %dma_start3A_119 = arith.constant 0 : i32
      %dma_start3A_120 = arith.constant 0 : i32
      %dma_start3A_121 = tpu.memref_slice %arg4[%dma_start3A_119, %dma_start3A_120] : memref<10000x128xf32, #tpu.memory_space<hbm>> -> memref<10000x128xf32, #tpu.memory_space<hbm>>
      tpu.enqueue_indirect_dma source(%dma_start3A_121 : memref<10000x128xf32, #tpu.memory_space<hbm>>) target(%arg11 : memref<50x128xf32, #tpu.memory_space<vmem>>) offsets(%dma_start3A_118 : memref<50xi32, #tpu.memory_space<vmem>>) semaphore(%arg18 : memref<!tpu.dma_semaphore, #tpu.memory_space<semaphore_mem>>)
      %dma_start3A_122 = arith.constant 0 : i32
      %dma_start3A_123 = arith.constant 2 : i32
      %dma_start3A_124 = arith.constant 0 : i32
      %dma_start3A_125 = tpu.memref_slice %arg8[%dma_start3A_122, %dma_start3A_123, %dma_start3A_124] : memref<2x5x50xi32, #tpu.memory_space<vmem>> -> memref<1x1x50xi32, #tpu.memory_space<vmem>>
      %dma_start3A_126 = tpu.memref_squeeze %dma_start3A_125 : memref<1x1x50xi32, #tpu.memory_space<vmem>> -> memref<50xi32, #tpu.memory_space<vmem>>
      %dma_start3A_127 = arith.constant 0 : i32
      %dma_start3A_128 = arith.constant 0 : i32
      %dma_start3A_129 = tpu.memref_slice %arg4[%dma_start3A_127, %dma_start3A_128] : memref<10000x128xf32, #tpu.memory_space<hbm>> -> memref<10000x128xf32, #tpu.memory_space<hbm>>
      tpu.enqueue_indirect_dma source(%dma_start3A_129 : memref<10000x128xf32, #tpu.memory_space<hbm>>) target(%arg12 : memref<50x128xf32, #tpu.memory_space<vmem>>) offsets(%dma_start3A_126 : memref<50xi32, #tpu.memory_space<vmem>>) semaphore(%arg19 : memref<!tpu.dma_semaphore, #tpu.memory_space<semaphore_mem>>)
      %dma_start3A_130 = arith.constant 0 : i32
      %dma_start3A_131 = arith.constant 3 : i32
      %dma_start3A_132 = arith.constant 0 : i32
      %dma_start3A_133 = tpu.memref_slice %arg8[%dma_start3A_130, %dma_start3A_131, %dma_start3A_132] : memref<2x5x50xi32, #tpu.memory_space<vmem>> -> memref<1x1x50xi32, #tpu.memory_space<vmem>>
      %dma_start3A_134 = tpu.memref_squeeze %dma_start3A_133 : memref<1x1x50xi32, #tpu.memory_space<vmem>> -> memref<50xi32, #tpu.memory_space<vmem>>
      %dma_start3A_135 = arith.constant 0 : i32
      %dma_start3A_136 = arith.constant 0 : i32
      %dma_start3A_137 = tpu.memref_slice %arg4[%dma_start3A_135, %dma_start3A_136] : memref<10000x128xf32, #tpu.memory_space<hbm>> -> memref<10000x128xf32, #tpu.memory_space<hbm>>
      tpu.enqueue_indirect_dma source(%dma_start3A_137 : memref<10000x128xf32, #tpu.memory_space<hbm>>) target(%arg13 : memref<50x128xf32, #tpu.memory_space<vmem>>) offsets(%dma_start3A_134 : memref<50xi32, #tpu.memory_space<vmem>>) semaphore(%arg20 : memref<!tpu.dma_semaphore, #tpu.memory_space<semaphore_mem>>)
      %dma_start3A_138 = arith.constant 0 : i32
      %dma_start3A_139 = arith.constant 4 : i32
      %dma_start3A_140 = arith.constant 0 : i32
      %dma_start3A_141 = tpu.memref_slice %arg8[%dma_start3A_138, %dma_start3A_139, %dma_start3A_140] : memref<2x5x50xi32, #tpu.memory_space<vmem>> -> memref<1x1x50xi32, #tpu.memory_space<vmem>>
      %dma_start3A_142 = tpu.memref_squeeze %dma_start3A_141 : memref<1x1x50xi32, #tpu.memory_space<vmem>> -> memref<50xi32, #tpu.memory_space<vmem>>
      %dma_start3A_143 = arith.constant 0 : i32
      %dma_start3A_144 = arith.constant 0 : i32
      %dma_start3A_145 = tpu.memref_slice %arg4[%dma_start3A_143, %dma_start3A_144] : memref<10000x128xf32, #tpu.memory_space<hbm>> -> memref<10000x128xf32, #tpu.memory_space<hbm>>
      tpu.enqueue_indirect_dma source(%dma_start3A_145 : memref<10000x128xf32, #tpu.memory_space<hbm>>) target(%arg14 : memref<50x128xf32, #tpu.memory_space<vmem>>) offsets(%dma_start3A_142 : memref<50xi32, #tpu.memory_space<vmem>>) semaphore(%arg21 : memref<!tpu.dma_semaphore, #tpu.memory_space<semaphore_mem>>)
      %scan3A_146 = arith.constant 0 : i32
      %scan3A_147 = arith.constant 0 : i32
      %scan3A_148 = arith.constant 79 : i32
      %scan3A_149 = arith.addi %scan3A_147, %scan3A_148 : i32
      %scan3A_150 = arith.constant 1 : i32
      scf.for %scan3A_272 = %scan3A_147 to %scan3A_149 step %scan3A_150  : i32 {
        %rem3A = arith.constant 2 : i32
        %rem3A_273 = arith.remsi %scan3A_272, %rem3A : i32
        %add3A_274 = arith.constant 1 : i32
        %add3A_275 = arith.addi %scan3A_272, %add3A_274 : i32
        %rem3A_276 = arith.constant 2 : i32
        %rem3A_277 = arith.remsi %add3A_275, %rem3A_276 : i32
        %add3A_278 = arith.constant 1 : i32
        %add3A_279 = arith.addi %scan3A_272, %add3A_278 : i32
        %dma_start3A_280 = arith.constant 0 : i32
        %dma_start3A_281 = arith.constant 0 : i32
        %dma_start3A_282 = tpu.memref_slice %arg8[%rem3A_277, %dma_start3A_280, %dma_start3A_281] : memref<2x5x50xi32, #tpu.memory_space<vmem>> -> memref<1x5x50xi32, #tpu.memory_space<vmem>>
        %dma_start3A_283 = tpu.memref_squeeze %dma_start3A_282 : memref<1x5x50xi32, #tpu.memory_space<vmem>> -> memref<5x50xi32, #tpu.memory_space<vmem>>
        %dma_start3A_284 = arith.constant 0 : i32
        %dma_start3A_285 = arith.constant 0 : i32
        %dma_start3A_286 = tpu.memref_slice %arg2[%arg1, %add3A_279, %dma_start3A_284, %dma_start3A_285] : memref<16x80x5x50xi32, #tpu.memory_space<hbm>> -> memref<1x1x5x50xi32, #tpu.memory_space<hbm>>
        %dma_start3A_287 = tpu.memref_squeeze %dma_start3A_286 : memref<1x1x5x50xi32, #tpu.memory_space<hbm>> -> memref<5x50xi32, #tpu.memory_space<hbm>>
        %dma_start3A_288 = arith.constant 0 : i32
        %dma_start3A_289 = arith.constant 0 : i32
        %dma_start3A_290 = tpu.memref_slice %arg8[%rem3A_277, %dma_start3A_288, %dma_start3A_289] : memref<2x5x50xi32, #tpu.memory_space<vmem>> -> memref<1x5x50xi32, #tpu.memory_space<vmem>>
        %dma_start3A_291 = tpu.memref_squeeze %dma_start3A_290 : memref<1x5x50xi32, #tpu.memory_space<vmem>> -> memref<5x50xi32, #tpu.memory_space<vmem>>
        %dma_start3A_292 = arith.constant 0 : i32
        %dma_start3A_293 = arith.constant 0 : i32
        %dma_start3A_294 = tpu.memref_slice %arg2[%arg1, %add3A_279, %dma_start3A_292, %dma_start3A_293] : memref<16x80x5x50xi32, #tpu.memory_space<hbm>> -> memref<1x1x5x50xi32, #tpu.memory_space<hbm>>
        %dma_start3A_295 = tpu.memref_squeeze %dma_start3A_294 : memref<1x1x5x50xi32, #tpu.memory_space<hbm>> -> memref<5x50xi32, #tpu.memory_space<hbm>>
        tpu.enqueue_dma source(%dma_start3A_295 : memref<5x50xi32, #tpu.memory_space<hbm>>) target(%dma_start3A_291 : memref<5x50xi32, #tpu.memory_space<vmem>>) target_semaphore(%arg27 : memref<!tpu.dma_semaphore, #tpu.memory_space<semaphore_mem>>)
        %dma_start3A_296 = arith.constant 0 : i32
        %dma_start3A_297 = arith.constant 0 : i32
        %dma_start3A_298 = tpu.memref_slice %arg9[%rem3A_277, %dma_start3A_296, %dma_start3A_297] : memref<2x5x50xi32, #tpu.memory_space<vmem>> -> memref<1x5x50xi32, #tpu.memory_space<vmem>>
        %dma_start3A_299 = tpu.memref_squeeze %dma_start3A_298 : memref<1x5x50xi32, #tpu.memory_space<vmem>> -> memref<5x50xi32, #tpu.memory_space<vmem>>
        %dma_start3A_300 = arith.constant 0 : i32
        %dma_start3A_301 = arith.constant 0 : i32
        %dma_start3A_302 = tpu.memref_slice %arg3[%arg1, %add3A_279, %dma_start3A_300, %dma_start3A_301] : memref<16x80x5x50xi32, #tpu.memory_space<hbm>> -> memref<1x1x5x50xi32, #tpu.memory_space<hbm>>
        %dma_start3A_303 = tpu.memref_squeeze %dma_start3A_302 : memref<1x1x5x50xi32, #tpu.memory_space<hbm>> -> memref<5x50xi32, #tpu.memory_space<hbm>>
        %dma_start3A_304 = arith.constant 0 : i32
        %dma_start3A_305 = arith.constant 0 : i32
        %dma_start3A_306 = tpu.memref_slice %arg9[%rem3A_277, %dma_start3A_304, %dma_start3A_305] : memref<2x5x50xi32, #tpu.memory_space<vmem>> -> memref<1x5x50xi32, #tpu.memory_space<vmem>>
        %dma_start3A_307 = tpu.memref_squeeze %dma_start3A_306 : memref<1x5x50xi32, #tpu.memory_space<vmem>> -> memref<5x50xi32, #tpu.memory_space<vmem>>
        %dma_start3A_308 = arith.constant 0 : i32
        %dma_start3A_309 = arith.constant 0 : i32
        %dma_start3A_310 = tpu.memref_slice %arg3[%arg1, %add3A_279, %dma_start3A_308, %dma_start3A_309] : memref<16x80x5x50xi32, #tpu.memory_space<hbm>> -> memref<1x1x5x50xi32, #tpu.memory_space<hbm>>
        %dma_start3A_311 = tpu.memref_squeeze %dma_start3A_310 : memref<1x1x5x50xi32, #tpu.memory_space<hbm>> -> memref<5x50xi32, #tpu.memory_space<hbm>>
        tpu.enqueue_dma source(%dma_start3A_311 : memref<5x50xi32, #tpu.memory_space<hbm>>) target(%dma_start3A_307 : memref<5x50xi32, #tpu.memory_space<vmem>>) target_semaphore(%arg28 : memref<!tpu.dma_semaphore, #tpu.memory_space<semaphore_mem>>)
        %dma_wait3A_312 = arith.constant 0 : i32
        %dma_wait3A_313 = arith.constant 0 : i32
        %dma_wait3A_314 = tpu.memref_slice %arg8[%rem3A_273, %dma_wait3A_312, %dma_wait3A_313] : memref<2x5x50xi32, #tpu.memory_space<vmem>> -> memref<1x1x50xi32, #tpu.memory_space<vmem>>
        %dma_wait3A_315 = tpu.memref_squeeze %dma_wait3A_314 : memref<1x1x50xi32, #tpu.memory_space<vmem>> -> memref<50xi32, #tpu.memory_space<vmem>>
        %dma_wait3A_316 = arith.constant 0 : i32
        %dma_wait3A_317 = arith.constant 0 : i32
        %dma_wait3A_318 = tpu.memref_slice %arg4[%dma_wait3A_316, %dma_wait3A_317] : memref<10000x128xf32, #tpu.memory_space<hbm>> -> memref<10000x128xf32, #tpu.memory_space<hbm>>
        tpu.wait_indirect_dma semaphore(%arg17 : memref<!tpu.dma_semaphore, #tpu.memory_space<semaphore_mem>>) src(%dma_wait3A_318 : memref<10000x128xf32, #tpu.memory_space<hbm>>) dst(%arg10 : memref<50x128xf32, #tpu.memory_space<vmem>>)
        %dma_start3A_319 = arith.constant 0 : i32
        %dma_start3A_320 = arith.constant 0 : i32
        %dma_start3A_321 = tpu.memref_slice %arg9[%rem3A_273, %dma_start3A_319, %dma_start3A_320] : memref<2x5x50xi32, #tpu.memory_space<vmem>> -> memref<1x1x50xi32, #tpu.memory_space<vmem>>
        %dma_start3A_322 = tpu.memref_squeeze %dma_start3A_321 : memref<1x1x50xi32, #tpu.memory_space<vmem>> -> memref<50xi32, #tpu.memory_space<vmem>>
        %dma_start3A_323 = arith.constant 0 : i32
        %dma_start3A_324 = arith.constant 0 : i32
        %dma_start3A_325 = tpu.memref_slice %arg16[%dma_start3A_323, %dma_start3A_324] : memref<10000x128xf32, #tpu.memory_space<vmem_shared>> -> memref<10000x128xf32, #tpu.memory_space<vmem_shared>>
        tpu.enqueue_indirect_dma source(%arg10 : memref<50x128xf32, #tpu.memory_space<vmem>>) target(%dma_start3A_325 : memref<10000x128xf32, #tpu.memory_space<vmem_shared>>) offsets(%dma_start3A_322 : memref<50xi32, #tpu.memory_space<vmem>>) semaphore(%arg22 : memref<!tpu.dma_semaphore, #tpu.memory_space<semaphore_mem>>) {add = true}
        %dma_wait3A_326 = arith.constant 1 : i32
        %dma_wait3A_327 = arith.constant 0 : i32
        %dma_wait3A_328 = tpu.memref_slice %arg8[%rem3A_273, %dma_wait3A_326, %dma_wait3A_327] : memref<2x5x50xi32, #tpu.memory_space<vmem>> -> memref<1x1x50xi32, #tpu.memory_space<vmem>>
        %dma_wait3A_329 = tpu.memref_squeeze %dma_wait3A_328 : memref<1x1x50xi32, #tpu.memory_space<vmem>> -> memref<50xi32, #tpu.memory_space<vmem>>
        %dma_wait3A_330 = arith.constant 0 : i32
        %dma_wait3A_331 = arith.constant 0 : i32
        %dma_wait3A_332 = tpu.memref_slice %arg4[%dma_wait3A_330, %dma_wait3A_331] : memref<10000x128xf32, #tpu.memory_space<hbm>> -> memref<10000x128xf32, #tpu.memory_space<hbm>>
        tpu.wait_indirect_dma semaphore(%arg18 : memref<!tpu.dma_semaphore, #tpu.memory_space<semaphore_mem>>) src(%dma_wait3A_332 : memref<10000x128xf32, #tpu.memory_space<hbm>>) dst(%arg11 : memref<50x128xf32, #tpu.memory_space<vmem>>)
        %dma_start3A_333 = arith.constant 1 : i32
        %dma_start3A_334 = arith.constant 0 : i32
        %dma_start3A_335 = tpu.memref_slice %arg9[%rem3A_273, %dma_start3A_333, %dma_start3A_334] : memref<2x5x50xi32, #tpu.memory_space<vmem>> -> memref<1x1x50xi32, #tpu.memory_space<vmem>>
        %dma_start3A_336 = tpu.memref_squeeze %dma_start3A_335 : memref<1x1x50xi32, #tpu.memory_space<vmem>> -> memref<50xi32, #tpu.memory_space<vmem>>
        %dma_start3A_337 = arith.constant 0 : i32
        %dma_start3A_338 = arith.constant 0 : i32
        %dma_start3A_339 = tpu.memref_slice %arg16[%dma_start3A_337, %dma_start3A_338] : memref<10000x128xf32, #tpu.memory_space<vmem_shared>> -> memref<10000x128xf32, #tpu.memory_space<vmem_shared>>
        tpu.enqueue_indirect_dma source(%arg11 : memref<50x128xf32, #tpu.memory_space<vmem>>) target(%dma_start3A_339 : memref<10000x128xf32, #tpu.memory_space<vmem_shared>>) offsets(%dma_start3A_336 : memref<50xi32, #tpu.memory_space<vmem>>) semaphore(%arg23 : memref<!tpu.dma_semaphore, #tpu.memory_space<semaphore_mem>>) {add = true}
        %dma_wait3A_340 = arith.constant 2 : i32
        %dma_wait3A_341 = arith.constant 0 : i32
        %dma_wait3A_342 = tpu.memref_slice %arg8[%rem3A_273, %dma_wait3A_340, %dma_wait3A_341] : memref<2x5x50xi32, #tpu.memory_space<vmem>> -> memref<1x1x50xi32, #tpu.memory_space<vmem>>
        %dma_wait3A_343 = tpu.memref_squeeze %dma_wait3A_342 : memref<1x1x50xi32, #tpu.memory_space<vmem>> -> memref<50xi32, #tpu.memory_space<vmem>>
        %dma_wait3A_344 = arith.constant 0 : i32
        %dma_wait3A_345 = arith.constant 0 : i32
        %dma_wait3A_346 = tpu.memref_slice %arg4[%dma_wait3A_344, %dma_wait3A_345] : memref<10000x128xf32, #tpu.memory_space<hbm>> -> memref<10000x128xf32, #tpu.memory_space<hbm>>
        tpu.wait_indirect_dma semaphore(%arg19 : memref<!tpu.dma_semaphore, #tpu.memory_space<semaphore_mem>>) src(%dma_wait3A_346 : memref<10000x128xf32, #tpu.memory_space<hbm>>) dst(%arg12 : memref<50x128xf32, #tpu.memory_space<vmem>>)
        %dma_start3A_347 = arith.constant 2 : i32
        %dma_start3A_348 = arith.constant 0 : i32
        %dma_start3A_349 = tpu.memref_slice %arg9[%rem3A_273, %dma_start3A_347, %dma_start3A_348] : memref<2x5x50xi32, #tpu.memory_space<vmem>> -> memref<1x1x50xi32, #tpu.memory_space<vmem>>
        %dma_start3A_350 = tpu.memref_squeeze %dma_start3A_349 : memref<1x1x50xi32, #tpu.memory_space<vmem>> -> memref<50xi32, #tpu.memory_space<vmem>>
        %dma_start3A_351 = arith.constant 0 : i32
        %dma_start3A_352 = arith.constant 0 : i32
        %dma_start3A_353 = tpu.memref_slice %arg16[%dma_start3A_351, %dma_start3A_352] : memref<10000x128xf32, #tpu.memory_space<vmem_shared>> -> memref<10000x128xf32, #tpu.memory_space<vmem_shared>>
        tpu.enqueue_indirect_dma source(%arg12 : memref<50x128xf32, #tpu.memory_space<vmem>>) target(%dma_start3A_353 : memref<10000x128xf32, #tpu.memory_space<vmem_shared>>) offsets(%dma_start3A_350 : memref<50xi32, #tpu.memory_space<vmem>>) semaphore(%arg24 : memref<!tpu.dma_semaphore, #tpu.memory_space<semaphore_mem>>) {add = true}
        %dma_wait3A_354 = arith.constant 3 : i32
        %dma_wait3A_355 = arith.constant 0 : i32
        %dma_wait3A_356 = tpu.memref_slice %arg8[%rem3A_273, %dma_wait3A_354, %dma_wait3A_355] : memref<2x5x50xi32, #tpu.memory_space<vmem>> -> memref<1x1x50xi32, #tpu.memory_space<vmem>>
        %dma_wait3A_357 = tpu.memref_squeeze %dma_wait3A_356 : memref<1x1x50xi32, #tpu.memory_space<vmem>> -> memref<50xi32, #tpu.memory_space<vmem>>
        %dma_wait3A_358 = arith.constant 0 : i32
        %dma_wait3A_359 = arith.constant 0 : i32
        %dma_wait3A_360 = tpu.memref_slice %arg4[%dma_wait3A_358, %dma_wait3A_359] : memref<10000x128xf32, #tpu.memory_space<hbm>> -> memref<10000x128xf32, #tpu.memory_space<hbm>>
        tpu.wait_indirect_dma semaphore(%arg20 : memref<!tpu.dma_semaphore, #tpu.memory_space<semaphore_mem>>) src(%dma_wait3A_360 : memref<10000x128xf32, #tpu.memory_space<hbm>>) dst(%arg13 : memref<50x128xf32, #tpu.memory_space<vmem>>)
        %dma_start3A_361 = arith.constant 3 : i32
        %dma_start3A_362 = arith.constant 0 : i32
        %dma_start3A_363 = tpu.memref_slice %arg9[%rem3A_273, %dma_start3A_361, %dma_start3A_362] : memref<2x5x50xi32, #tpu.memory_space<vmem>> -> memref<1x1x50xi32, #tpu.memory_space<vmem>>
        %dma_start3A_364 = tpu.memref_squeeze %dma_start3A_363 : memref<1x1x50xi32, #tpu.memory_space<vmem>> -> memref<50xi32, #tpu.memory_space<vmem>>
        %dma_start3A_365 = arith.constant 0 : i32
        %dma_start3A_366 = arith.constant 0 : i32
        %dma_start3A_367 = tpu.memref_slice %arg16[%dma_start3A_365, %dma_start3A_366] : memref<10000x128xf32, #tpu.memory_space<vmem_shared>> -> memref<10000x128xf32, #tpu.memory_space<vmem_shared>>
        tpu.enqueue_indirect_dma source(%arg13 : memref<50x128xf32, #tpu.memory_space<vmem>>) target(%dma_start3A_367 : memref<10000x128xf32, #tpu.memory_space<vmem_shared>>) offsets(%dma_start3A_364 : memref<50xi32, #tpu.memory_space<vmem>>) semaphore(%arg25 : memref<!tpu.dma_semaphore, #tpu.memory_space<semaphore_mem>>) {add = true}
        %dma_wait3A_368 = arith.constant 4 : i32
        %dma_wait3A_369 = arith.constant 0 : i32
        %dma_wait3A_370 = tpu.memref_slice %arg8[%rem3A_273, %dma_wait3A_368, %dma_wait3A_369] : memref<2x5x50xi32, #tpu.memory_space<vmem>> -> memref<1x1x50xi32, #tpu.memory_space<vmem>>
        %dma_wait3A_371 = tpu.memref_squeeze %dma_wait3A_370 : memref<1x1x50xi32, #tpu.memory_space<vmem>> -> memref<50xi32, #tpu.memory_space<vmem>>
        %dma_wait3A_372 = arith.constant 0 : i32
        %dma_wait3A_373 = arith.constant 0 : i32
        %dma_wait3A_374 = tpu.memref_slice %arg4[%dma_wait3A_372, %dma_wait3A_373] : memref<10000x128xf32, #tpu.memory_space<hbm>> -> memref<10000x128xf32, #tpu.memory_space<hbm>>
        tpu.wait_indirect_dma semaphore(%arg21 : memref<!tpu.dma_semaphore, #tpu.memory_space<semaphore_mem>>) src(%dma_wait3A_374 : memref<10000x128xf32, #tpu.memory_space<hbm>>) dst(%arg14 : memref<50x128xf32, #tpu.memory_space<vmem>>)
        %dma_start3A_375 = arith.constant 4 : i32
        %dma_start3A_376 = arith.constant 0 : i32
        %dma_start3A_377 = tpu.memref_slice %arg9[%rem3A_273, %dma_start3A_375, %dma_start3A_376] : memref<2x5x50xi32, #tpu.memory_space<vmem>> -> memref<1x1x50xi32, #tpu.memory_space<vmem>>
        %dma_start3A_378 = tpu.memref_squeeze %dma_start3A_377 : memref<1x1x50xi32, #tpu.memory_space<vmem>> -> memref<50xi32, #tpu.memory_space<vmem>>
        %dma_start3A_379 = arith.constant 0 : i32
        %dma_start3A_380 = arith.constant 0 : i32
        %dma_start3A_381 = tpu.memref_slice %arg16[%dma_start3A_379, %dma_start3A_380] : memref<10000x128xf32, #tpu.memory_space<vmem_shared>> -> memref<10000x128xf32, #tpu.memory_space<vmem_shared>>
        tpu.enqueue_indirect_dma source(%arg14 : memref<50x128xf32, #tpu.memory_space<vmem>>) target(%dma_start3A_381 : memref<10000x128xf32, #tpu.memory_space<vmem_shared>>) offsets(%dma_start3A_378 : memref<50xi32, #tpu.memory_space<vmem>>) semaphore(%arg26 : memref<!tpu.dma_semaphore, #tpu.memory_space<semaphore_mem>>) {add = true}
        %add3A_382 = arith.constant 1 : i32
        %add3A_383 = arith.addi %scan3A_272, %add3A_382 : i32
        %dma_wait3A_384 = arith.constant 0 : i32
        %dma_wait3A_385 = arith.constant 0 : i32
        %dma_wait3A_386 = tpu.memref_slice %arg8[%rem3A_277, %dma_wait3A_384, %dma_wait3A_385] : memref<2x5x50xi32, #tpu.memory_space<vmem>> -> memref<1x5x50xi32, #tpu.memory_space<vmem>>
        %dma_wait3A_387 = tpu.memref_squeeze %dma_wait3A_386 : memref<1x5x50xi32, #tpu.memory_space<vmem>> -> memref<5x50xi32, #tpu.memory_space<vmem>>
        %dma_wait3A_388 = arith.constant 0 : i32
        %dma_wait3A_389 = arith.constant 0 : i32
        %dma_wait3A_390 = tpu.memref_slice %arg2[%arg1, %add3A_383, %dma_wait3A_388, %dma_wait3A_389] : memref<16x80x5x50xi32, #tpu.memory_space<hbm>> -> memref<1x1x5x50xi32, #tpu.memory_space<hbm>>
        %dma_wait3A_391 = tpu.memref_squeeze %dma_wait3A_390 : memref<1x1x5x50xi32, #tpu.memory_space<hbm>> -> memref<5x50xi32, #tpu.memory_space<hbm>>
        %dma_wait3A_392 = arith.constant 0 : i32
        %dma_wait3A_393 = arith.constant 0 : i32
        %dma_wait3A_394 = tpu.memref_slice %arg8[%rem3A_277, %dma_wait3A_392, %dma_wait3A_393] : memref<2x5x50xi32, #tpu.memory_space<vmem>> -> memref<1x5x50xi32, #tpu.memory_space<vmem>>
        %dma_wait3A_395 = tpu.memref_squeeze %dma_wait3A_394 : memref<1x5x50xi32, #tpu.memory_space<vmem>> -> memref<5x50xi32, #tpu.memory_space<vmem>>
        %dma_wait3A_396 = arith.constant 0 : i32
        %dma_wait3A_397 = arith.constant 0 : i32
        %dma_wait3A_398 = tpu.memref_slice %arg2[%arg1, %add3A_383, %dma_wait3A_396, %dma_wait3A_397] : memref<16x80x5x50xi32, #tpu.memory_space<hbm>> -> memref<1x1x5x50xi32, #tpu.memory_space<hbm>>
        %dma_wait3A_399 = tpu.memref_squeeze %dma_wait3A_398 : memref<1x1x5x50xi32, #tpu.memory_space<hbm>> -> memref<5x50xi32, #tpu.memory_space<hbm>>
        tpu.wait_dma2 semaphore(%arg27 : memref<!tpu.dma_semaphore, #tpu.memory_space<semaphore_mem>>) src(%dma_wait3A_399 : memref<5x50xi32, #tpu.memory_space<hbm>>) dst(%dma_wait3A_395 : memref<5x50xi32, #tpu.memory_space<vmem>>)
        %dma_wait3A_400 = arith.constant 0 : i32
        %dma_wait3A_401 = arith.constant 0 : i32
        %dma_wait3A_402 = tpu.memref_slice %arg9[%rem3A_277, %dma_wait3A_400, %dma_wait3A_401] : memref<2x5x50xi32, #tpu.memory_space<vmem>> -> memref<1x5x50xi32, #tpu.memory_space<vmem>>
        %dma_wait3A_403 = tpu.memref_squeeze %dma_wait3A_402 : memref<1x5x50xi32, #tpu.memory_space<vmem>> -> memref<5x50xi32, #tpu.memory_space<vmem>>
        %dma_wait3A_404 = arith.constant 0 : i32
        %dma_wait3A_405 = arith.constant 0 : i32
        %dma_wait3A_406 = tpu.memref_slice %arg3[%arg1, %add3A_383, %dma_wait3A_404, %dma_wait3A_405] : memref<16x80x5x50xi32, #tpu.memory_space<hbm>> -> memref<1x1x5x50xi32, #tpu.memory_space<hbm>>
        %dma_wait3A_407 = tpu.memref_squeeze %dma_wait3A_406 : memref<1x1x5x50xi32, #tpu.memory_space<hbm>> -> memref<5x50xi32, #tpu.memory_space<hbm>>
        %dma_wait3A_408 = arith.constant 0 : i32
        %dma_wait3A_409 = arith.constant 0 : i32
        %dma_wait3A_410 = tpu.memref_slice %arg9[%rem3A_277, %dma_wait3A_408, %dma_wait3A_409] : memref<2x5x50xi32, #tpu.memory_space<vmem>> -> memref<1x5x50xi32, #tpu.memory_space<vmem>>
        %dma_wait3A_411 = tpu.memref_squeeze %dma_wait3A_410 : memref<1x5x50xi32, #tpu.memory_space<vmem>> -> memref<5x50xi32, #tpu.memory_space<vmem>>
        %dma_wait3A_412 = arith.constant 0 : i32
        %dma_wait3A_413 = arith.constant 0 : i32
        %dma_wait3A_414 = tpu.memref_slice %arg3[%arg1, %add3A_383, %dma_wait3A_412, %dma_wait3A_413] : memref<16x80x5x50xi32, #tpu.memory_space<hbm>> -> memref<1x1x5x50xi32, #tpu.memory_space<hbm>>
        %dma_wait3A_415 = tpu.memref_squeeze %dma_wait3A_414 : memref<1x1x5x50xi32, #tpu.memory_space<hbm>> -> memref<5x50xi32, #tpu.memory_space<hbm>>
        tpu.wait_dma2 semaphore(%arg28 : memref<!tpu.dma_semaphore, #tpu.memory_space<semaphore_mem>>) src(%dma_wait3A_415 : memref<5x50xi32, #tpu.memory_space<hbm>>) dst(%dma_wait3A_411 : memref<5x50xi32, #tpu.memory_space<vmem>>)
        %dma_wait3A_416 = arith.constant 0 : i32
        %dma_wait3A_417 = arith.constant 0 : i32
        %dma_wait3A_418 = tpu.memref_slice %arg9[%rem3A_273, %dma_wait3A_416, %dma_wait3A_417] : memref<2x5x50xi32, #tpu.memory_space<vmem>> -> memref<1x1x50xi32, #tpu.memory_space<vmem>>
        %dma_wait3A_419 = tpu.memref_squeeze %dma_wait3A_418 : memref<1x1x50xi32, #tpu.memory_space<vmem>> -> memref<50xi32, #tpu.memory_space<vmem>>
        %dma_wait3A_420 = arith.constant 0 : i32
        %dma_wait3A_421 = arith.constant 0 : i32
        %dma_wait3A_422 = tpu.memref_slice %arg16[%dma_wait3A_420, %dma_wait3A_421] : memref<10000x128xf32, #tpu.memory_space<vmem_shared>> -> memref<10000x128xf32, #tpu.memory_space<vmem_shared>>
        tpu.wait_indirect_dma semaphore(%arg22 : memref<!tpu.dma_semaphore, #tpu.memory_space<semaphore_mem>>) src(%arg10 : memref<50x128xf32, #tpu.memory_space<vmem>>) dst(%dma_wait3A_422 : memref<10000x128xf32, #tpu.memory_space<vmem_shared>>)
        %dma_start3A_423 = arith.constant 0 : i32
        %dma_start3A_424 = arith.constant 0 : i32
        %dma_start3A_425 = tpu.memref_slice %arg8[%rem3A_277, %dma_start3A_423, %dma_start3A_424] : memref<2x5x50xi32, #tpu.memory_space<vmem>> -> memref<1x1x50xi32, #tpu.memory_space<vmem>>
        %dma_start3A_426 = tpu.memref_squeeze %dma_start3A_425 : memref<1x1x50xi32, #tpu.memory_space<vmem>> -> memref<50xi32, #tpu.memory_space<vmem>>
        %dma_start3A_427 = arith.constant 0 : i32
        %dma_start3A_428 = arith.constant 0 : i32
        %dma_start3A_429 = tpu.memref_slice %arg4[%dma_start3A_427, %dma_start3A_428] : memref<10000x128xf32, #tpu.memory_space<hbm>> -> memref<10000x128xf32, #tpu.memory_space<hbm>>
        tpu.enqueue_indirect_dma source(%dma_start3A_429 : memref<10000x128xf32, #tpu.memory_space<hbm>>) target(%arg10 : memref<50x128xf32, #tpu.memory_space<vmem>>) offsets(%dma_start3A_426 : memref<50xi32, #tpu.memory_space<vmem>>) semaphore(%arg17 : memref<!tpu.dma_semaphore, #tpu.memory_space<semaphore_mem>>)
        %dma_wait3A_430 = arith.constant 1 : i32
        %dma_wait3A_431 = arith.constant 0 : i32
        %dma_wait3A_432 = tpu.memref_slice %arg9[%rem3A_273, %dma_wait3A_430, %dma_wait3A_431] : memref<2x5x50xi32, #tpu.memory_space<vmem>> -> memref<1x1x50xi32, #tpu.memory_space<vmem>>
        %dma_wait3A_433 = tpu.memref_squeeze %dma_wait3A_432 : memref<1x1x50xi32, #tpu.memory_space<vmem>> -> memref<50xi32, #tpu.memory_space<vmem>>
        %dma_wait3A_434 = arith.constant 0 : i32
        %dma_wait3A_435 = arith.constant 0 : i32
        %dma_wait3A_436 = tpu.memref_slice %arg16[%dma_wait3A_434, %dma_wait3A_435] : memref<10000x128xf32, #tpu.memory_space<vmem_shared>> -> memref<10000x128xf32, #tpu.memory_space<vmem_shared>>
        tpu.wait_indirect_dma semaphore(%arg23 : memref<!tpu.dma_semaphore, #tpu.memory_space<semaphore_mem>>) src(%arg11 : memref<50x128xf32, #tpu.memory_space<vmem>>) dst(%dma_wait3A_436 : memref<10000x128xf32, #tpu.memory_space<vmem_shared>>)
        %dma_start3A_437 = arith.constant 1 : i32
        %dma_start3A_438 = arith.constant 0 : i32
        %dma_start3A_439 = tpu.memref_slice %arg8[%rem3A_277, %dma_start3A_437, %dma_start3A_438] : memref<2x5x50xi32, #tpu.memory_space<vmem>> -> memref<1x1x50xi32, #tpu.memory_space<vmem>>
        %dma_start3A_440 = tpu.memref_squeeze %dma_start3A_439 : memref<1x1x50xi32, #tpu.memory_space<vmem>> -> memref<50xi32, #tpu.memory_space<vmem>>
        %dma_start3A_441 = arith.constant 0 : i32
        %dma_start3A_442 = arith.constant 0 : i32
        %dma_start3A_443 = tpu.memref_slice %arg4[%dma_start3A_441, %dma_start3A_442] : memref<10000x128xf32, #tpu.memory_space<hbm>> -> memref<10000x128xf32, #tpu.memory_space<hbm>>
        tpu.enqueue_indirect_dma source(%dma_start3A_443 : memref<10000x128xf32, #tpu.memory_space<hbm>>) target(%arg11 : memref<50x128xf32, #tpu.memory_space<vmem>>) offsets(%dma_start3A_440 : memref<50xi32, #tpu.memory_space<vmem>>) semaphore(%arg18 : memref<!tpu.dma_semaphore, #tpu.memory_space<semaphore_mem>>)
        %dma_wait3A_444 = arith.constant 2 : i32
        %dma_wait3A_445 = arith.constant 0 : i32
        %dma_wait3A_446 = tpu.memref_slice %arg9[%rem3A_273, %dma_wait3A_444, %dma_wait3A_445] : memref<2x5x50xi32, #tpu.memory_space<vmem>> -> memref<1x1x50xi32, #tpu.memory_space<vmem>>
        %dma_wait3A_447 = tpu.memref_squeeze %dma_wait3A_446 : memref<1x1x50xi32, #tpu.memory_space<vmem>> -> memref<50xi32, #tpu.memory_space<vmem>>
        %dma_wait3A_448 = arith.constant 0 : i32
        %dma_wait3A_449 = arith.constant 0 : i32
        %dma_wait3A_450 = tpu.memref_slice %arg16[%dma_wait3A_448, %dma_wait3A_449] : memref<10000x128xf32, #tpu.memory_space<vmem_shared>> -> memref<10000x128xf32, #tpu.memory_space<vmem_shared>>
        tpu.wait_indirect_dma semaphore(%arg24 : memref<!tpu.dma_semaphore, #tpu.memory_space<semaphore_mem>>) src(%arg12 : memref<50x128xf32, #tpu.memory_space<vmem>>) dst(%dma_wait3A_450 : memref<10000x128xf32, #tpu.memory_space<vmem_shared>>)
        %dma_start3A_451 = arith.constant 2 : i32
        %dma_start3A_452 = arith.constant 0 : i32
        %dma_start3A_453 = tpu.memref_slice %arg8[%rem3A_277, %dma_start3A_451, %dma_start3A_452] : memref<2x5x50xi32, #tpu.memory_space<vmem>> -> memref<1x1x50xi32, #tpu.memory_space<vmem>>
        %dma_start3A_454 = tpu.memref_squeeze %dma_start3A_453 : memref<1x1x50xi32, #tpu.memory_space<vmem>> -> memref<50xi32, #tpu.memory_space<vmem>>
        %dma_start3A_455 = arith.constant 0 : i32
        %dma_start3A_456 = arith.constant 0 : i32
        %dma_start3A_457 = tpu.memref_slice %arg4[%dma_start3A_455, %dma_start3A_456] : memref<10000x128xf32, #tpu.memory_space<hbm>> -> memref<10000x128xf32, #tpu.memory_space<hbm>>
        tpu.enqueue_indirect_dma source(%dma_start3A_457 : memref<10000x128xf32, #tpu.memory_space<hbm>>) target(%arg12 : memref<50x128xf32, #tpu.memory_space<vmem>>) offsets(%dma_start3A_454 : memref<50xi32, #tpu.memory_space<vmem>>) semaphore(%arg19 : memref<!tpu.dma_semaphore, #tpu.memory_space<semaphore_mem>>)
        %dma_wait3A_458 = arith.constant 3 : i32
        %dma_wait3A_459 = arith.constant 0 : i32
        %dma_wait3A_460 = tpu.memref_slice %arg9[%rem3A_273, %dma_wait3A_458, %dma_wait3A_459] : memref<2x5x50xi32, #tpu.memory_space<vmem>> -> memref<1x1x50xi32, #tpu.memory_space<vmem>>
        %dma_wait3A_461 = tpu.memref_squeeze %dma_wait3A_460 : memref<1x1x50xi32, #tpu.memory_space<vmem>> -> memref<50xi32, #tpu.memory_space<vmem>>
        %dma_wait3A_462 = arith.constant 0 : i32
        %dma_wait3A_463 = arith.constant 0 : i32
        %dma_wait3A_464 = tpu.memref_slice %arg16[%dma_wait3A_462, %dma_wait3A_463] : memref<10000x128xf32, #tpu.memory_space<vmem_shared>> -> memref<10000x128xf32, #tpu.memory_space<vmem_shared>>
        tpu.wait_indirect_dma semaphore(%arg25 : memref<!tpu.dma_semaphore, #tpu.memory_space<semaphore_mem>>) src(%arg13 : memref<50x128xf32, #tpu.memory_space<vmem>>) dst(%dma_wait3A_464 : memref<10000x128xf32, #tpu.memory_space<vmem_shared>>)
        %dma_start3A_465 = arith.constant 3 : i32
        %dma_start3A_466 = arith.constant 0 : i32
        %dma_start3A_467 = tpu.memref_slice %arg8[%rem3A_277, %dma_start3A_465, %dma_start3A_466] : memref<2x5x50xi32, #tpu.memory_space<vmem>> -> memref<1x1x50xi32, #tpu.memory_space<vmem>>
        %dma_start3A_468 = tpu.memref_squeeze %dma_start3A_467 : memref<1x1x50xi32, #tpu.memory_space<vmem>> -> memref<50xi32, #tpu.memory_space<vmem>>
        %dma_start3A_469 = arith.constant 0 : i32
        %dma_start3A_470 = arith.constant 0 : i32
        %dma_start3A_471 = tpu.memref_slice %arg4[%dma_start3A_469, %dma_start3A_470] : memref<10000x128xf32, #tpu.memory_space<hbm>> -> memref<10000x128xf32, #tpu.memory_space<hbm>>
        tpu.enqueue_indirect_dma source(%dma_start3A_471 : memref<10000x128xf32, #tpu.memory_space<hbm>>) target(%arg13 : memref<50x128xf32, #tpu.memory_space<vmem>>) offsets(%dma_start3A_468 : memref<50xi32, #tpu.memory_space<vmem>>) semaphore(%arg20 : memref<!tpu.dma_semaphore, #tpu.memory_space<semaphore_mem>>)
        %dma_wait3A_472 = arith.constant 4 : i32
        %dma_wait3A_473 = arith.constant 0 : i32
        %dma_wait3A_474 = tpu.memref_slice %arg9[%rem3A_273, %dma_wait3A_472, %dma_wait3A_473] : memref<2x5x50xi32, #tpu.memory_space<vmem>> -> memref<1x1x50xi32, #tpu.memory_space<vmem>>
        %dma_wait3A_475 = tpu.memref_squeeze %dma_wait3A_474 : memref<1x1x50xi32, #tpu.memory_space<vmem>> -> memref<50xi32, #tpu.memory_space<vmem>>
        %dma_wait3A_476 = arith.constant 0 : i32
        %dma_wait3A_477 = arith.constant 0 : i32
        %dma_wait3A_478 = tpu.memref_slice %arg16[%dma_wait3A_476, %dma_wait3A_477] : memref<10000x128xf32, #tpu.memory_space<vmem_shared>> -> memref<10000x128xf32, #tpu.memory_space<vmem_shared>>
        tpu.wait_indirect_dma semaphore(%arg26 : memref<!tpu.dma_semaphore, #tpu.memory_space<semaphore_mem>>) src(%arg14 : memref<50x128xf32, #tpu.memory_space<vmem>>) dst(%dma_wait3A_478 : memref<10000x128xf32, #tpu.memory_space<vmem_shared>>)
        %dma_start3A_479 = arith.constant 4 : i32
        %dma_start3A_480 = arith.constant 0 : i32
        %dma_start3A_481 = tpu.memref_slice %arg8[%rem3A_277, %dma_start3A_479, %dma_start3A_480] : memref<2x5x50xi32, #tpu.memory_space<vmem>> -> memref<1x1x50xi32, #tpu.memory_space<vmem>>
        %dma_start3A_482 = tpu.memref_squeeze %dma_start3A_481 : memref<1x1x50xi32, #tpu.memory_space<vmem>> -> memref<50xi32, #tpu.memory_space<vmem>>
        %dma_start3A_483 = arith.constant 0 : i32
        %dma_start3A_484 = arith.constant 0 : i32
        %dma_start3A_485 = tpu.memref_slice %arg4[%dma_start3A_483, %dma_start3A_484] : memref<10000x128xf32, #tpu.memory_space<hbm>> -> memref<10000x128xf32, #tpu.memory_space<hbm>>
        tpu.enqueue_indirect_dma source(%dma_start3A_485 : memref<10000x128xf32, #tpu.memory_space<hbm>>) target(%arg14 : memref<50x128xf32, #tpu.memory_space<vmem>>) offsets(%dma_start3A_482 : memref<50xi32, #tpu.memory_space<vmem>>) semaphore(%arg21 : memref<!tpu.dma_semaphore, #tpu.memory_space<semaphore_mem>>)
      }
      %scan3A_151 = arith.constant 79 : i32
      %dma_wait3A_152 = arith.constant 1 : i32
      %dma_wait3A_153 = arith.constant 0 : i32
      %dma_wait3A_154 = arith.constant 0 : i32
      %dma_wait3A_155 = tpu.memref_slice %arg8[%dma_wait3A_152, %dma_wait3A_153, %dma_wait3A_154] : memref<2x5x50xi32, #tpu.memory_space<vmem>> -> memref<1x1x50xi32, #tpu.memory_space<vmem>>
      %dma_wait3A_156 = tpu.memref_squeeze %dma_wait3A_155 : memref<1x1x50xi32, #tpu.memory_space<vmem>> -> memref<50xi32, #tpu.memory_space<vmem>>
      %dma_wait3A_157 = arith.constant 0 : i32
      %dma_wait3A_158 = arith.constant 0 : i32
      %dma_wait3A_159 = tpu.memref_slice %arg4[%dma_wait3A_157, %dma_wait3A_158] : memref<10000x128xf32, #tpu.memory_space<hbm>> -> memref<10000x128xf32, #tpu.memory_space<hbm>>
      tpu.wait_indirect_dma semaphore(%arg17 : memref<!tpu.dma_semaphore, #tpu.memory_space<semaphore_mem>>) src(%dma_wait3A_159 : memref<10000x128xf32, #tpu.memory_space<hbm>>) dst(%arg10 : memref<50x128xf32, #tpu.memory_space<vmem>>)
      %dma_start3A_160 = arith.constant 1 : i32
      %dma_start3A_161 = arith.constant 0 : i32
      %dma_start3A_162 = arith.constant 0 : i32
      %dma_start3A_163 = tpu.memref_slice %arg9[%dma_start3A_160, %dma_start3A_161, %dma_start3A_162] : memref<2x5x50xi32, #tpu.memory_space<vmem>> -> memref<1x1x50xi32, #tpu.memory_space<vmem>>
      %dma_start3A_164 = tpu.memref_squeeze %dma_start3A_163 : memref<1x1x50xi32, #tpu.memory_space<vmem>> -> memref<50xi32, #tpu.memory_space<vmem>>
      %dma_start3A_165 = arith.constant 0 : i32
      %dma_start3A_166 = arith.constant 0 : i32
      %dma_start3A_167 = tpu.memref_slice %arg16[%dma_start3A_165, %dma_start3A_166] : memref<10000x128xf32, #tpu.memory_space<vmem_shared>> -> memref<10000x128xf32, #tpu.memory_space<vmem_shared>>
      tpu.enqueue_indirect_dma source(%arg10 : memref<50x128xf32, #tpu.memory_space<vmem>>) target(%dma_start3A_167 : memref<10000x128xf32, #tpu.memory_space<vmem_shared>>) offsets(%dma_start3A_164 : memref<50xi32, #tpu.memory_space<vmem>>) semaphore(%arg22 : memref<!tpu.dma_semaphore, #tpu.memory_space<semaphore_mem>>) {add = true}
      %dma_wait3A_168 = arith.constant 1 : i32
      %dma_wait3A_169 = arith.constant 1 : i32
      %dma_wait3A_170 = arith.constant 0 : i32
      %dma_wait3A_171 = tpu.memref_slice %arg8[%dma_wait3A_168, %dma_wait3A_169, %dma_wait3A_170] : memref<2x5x50xi32, #tpu.memory_space<vmem>> -> memref<1x1x50xi32, #tpu.memory_space<vmem>>
      %dma_wait3A_172 = tpu.memref_squeeze %dma_wait3A_171 : memref<1x1x50xi32, #tpu.memory_space<vmem>> -> memref<50xi32, #tpu.memory_space<vmem>>
      %dma_wait3A_173 = arith.constant 0 : i32
      %dma_wait3A_174 = arith.constant 0 : i32
      %dma_wait3A_175 = tpu.memref_slice %arg4[%dma_wait3A_173, %dma_wait3A_174] : memref<10000x128xf32, #tpu.memory_space<hbm>> -> memref<10000x128xf32, #tpu.memory_space<hbm>>
      tpu.wait_indirect_dma semaphore(%arg18 : memref<!tpu.dma_semaphore, #tpu.memory_space<semaphore_mem>>) src(%dma_wait3A_175 : memref<10000x128xf32, #tpu.memory_space<hbm>>) dst(%arg11 : memref<50x128xf32, #tpu.memory_space<vmem>>)
      %dma_start3A_176 = arith.constant 1 : i32
      %dma_start3A_177 = arith.constant 1 : i32
      %dma_start3A_178 = arith.constant 0 : i32
      %dma_start3A_179 = tpu.memref_slice %arg9[%dma_start3A_176, %dma_start3A_177, %dma_start3A_178] : memref<2x5x50xi32, #tpu.memory_space<vmem>> -> memref<1x1x50xi32, #tpu.memory_space<vmem>>
      %dma_start3A_180 = tpu.memref_squeeze %dma_start3A_179 : memref<1x1x50xi32, #tpu.memory_space<vmem>> -> memref<50xi32, #tpu.memory_space<vmem>>
      %dma_start3A_181 = arith.constant 0 : i32
      %dma_start3A_182 = arith.constant 0 : i32
      %dma_start3A_183 = tpu.memref_slice %arg16[%dma_start3A_181, %dma_start3A_182] : memref<10000x128xf32, #tpu.memory_space<vmem_shared>> -> memref<10000x128xf32, #tpu.memory_space<vmem_shared>>
      tpu.enqueue_indirect_dma source(%arg11 : memref<50x128xf32, #tpu.memory_space<vmem>>) target(%dma_start3A_183 : memref<10000x128xf32, #tpu.memory_space<vmem_shared>>) offsets(%dma_start3A_180 : memref<50xi32, #tpu.memory_space<vmem>>) semaphore(%arg23 : memref<!tpu.dma_semaphore, #tpu.memory_space<semaphore_mem>>) {add = true}
      %dma_wait3A_184 = arith.constant 1 : i32
      %dma_wait3A_185 = arith.constant 2 : i32
      %dma_wait3A_186 = arith.constant 0 : i32
      %dma_wait3A_187 = tpu.memref_slice %arg8[%dma_wait3A_184, %dma_wait3A_185, %dma_wait3A_186] : memref<2x5x50xi32, #tpu.memory_space<vmem>> -> memref<1x1x50xi32, #tpu.memory_space<vmem>>
      %dma_wait3A_188 = tpu.memref_squeeze %dma_wait3A_187 : memref<1x1x50xi32, #tpu.memory_space<vmem>> -> memref<50xi32, #tpu.memory_space<vmem>>
      %dma_wait3A_189 = arith.constant 0 : i32
      %dma_wait3A_190 = arith.constant 0 : i32
      %dma_wait3A_191 = tpu.memref_slice %arg4[%dma_wait3A_189, %dma_wait3A_190] : memref<10000x128xf32, #tpu.memory_space<hbm>> -> memref<10000x128xf32, #tpu.memory_space<hbm>>
      tpu.wait_indirect_dma semaphore(%arg19 : memref<!tpu.dma_semaphore, #tpu.memory_space<semaphore_mem>>) src(%dma_wait3A_191 : memref<10000x128xf32, #tpu.memory_space<hbm>>) dst(%arg12 : memref<50x128xf32, #tpu.memory_space<vmem>>)
      %dma_start3A_192 = arith.constant 1 : i32
      %dma_start3A_193 = arith.constant 2 : i32
      %dma_start3A_194 = arith.constant 0 : i32
      %dma_start3A_195 = tpu.memref_slice %arg9[%dma_start3A_192, %dma_start3A_193, %dma_start3A_194] : memref<2x5x50xi32, #tpu.memory_space<vmem>> -> memref<1x1x50xi32, #tpu.memory_space<vmem>>
      %dma_start3A_196 = tpu.memref_squeeze %dma_start3A_195 : memref<1x1x50xi32, #tpu.memory_space<vmem>> -> memref<50xi32, #tpu.memory_space<vmem>>
      %dma_start3A_197 = arith.constant 0 : i32
      %dma_start3A_198 = arith.constant 0 : i32
      %dma_start3A_199 = tpu.memref_slice %arg16[%dma_start3A_197, %dma_start3A_198] : memref<10000x128xf32, #tpu.memory_space<vmem_shared>> -> memref<10000x128xf32, #tpu.memory_space<vmem_shared>>
      tpu.enqueue_indirect_dma source(%arg12 : memref<50x128xf32, #tpu.memory_space<vmem>>) target(%dma_start3A_199 : memref<10000x128xf32, #tpu.memory_space<vmem_shared>>) offsets(%dma_start3A_196 : memref<50xi32, #tpu.memory_space<vmem>>) semaphore(%arg24 : memref<!tpu.dma_semaphore, #tpu.memory_space<semaphore_mem>>) {add = true}
      %dma_wait3A_200 = arith.constant 1 : i32
      %dma_wait3A_201 = arith.constant 3 : i32
      %dma_wait3A_202 = arith.constant 0 : i32
      %dma_wait3A_203 = tpu.memref_slice %arg8[%dma_wait3A_200, %dma_wait3A_201, %dma_wait3A_202] : memref<2x5x50xi32, #tpu.memory_space<vmem>> -> memref<1x1x50xi32, #tpu.memory_space<vmem>>
      %dma_wait3A_204 = tpu.memref_squeeze %dma_wait3A_203 : memref<1x1x50xi32, #tpu.memory_space<vmem>> -> memref<50xi32, #tpu.memory_space<vmem>>
      %dma_wait3A_205 = arith.constant 0 : i32
      %dma_wait3A_206 = arith.constant 0 : i32
      %dma_wait3A_207 = tpu.memref_slice %arg4[%dma_wait3A_205, %dma_wait3A_206] : memref<10000x128xf32, #tpu.memory_space<hbm>> -> memref<10000x128xf32, #tpu.memory_space<hbm>>
      tpu.wait_indirect_dma semaphore(%arg20 : memref<!tpu.dma_semaphore, #tpu.memory_space<semaphore_mem>>) src(%dma_wait3A_207 : memref<10000x128xf32, #tpu.memory_space<hbm>>) dst(%arg13 : memref<50x128xf32, #tpu.memory_space<vmem>>)
      %dma_start3A_208 = arith.constant 1 : i32
      %dma_start3A_209 = arith.constant 3 : i32
      %dma_start3A_210 = arith.constant 0 : i32
      %dma_start3A_211 = tpu.memref_slice %arg9[%dma_start3A_208, %dma_start3A_209, %dma_start3A_210] : memref<2x5x50xi32, #tpu.memory_space<vmem>> -> memref<1x1x50xi32, #tpu.memory_space<vmem>>
      %dma_start3A_212 = tpu.memref_squeeze %dma_start3A_211 : memref<1x1x50xi32, #tpu.memory_space<vmem>> -> memref<50xi32, #tpu.memory_space<vmem>>
      %dma_start3A_213 = arith.constant 0 : i32
      %dma_start3A_214 = arith.constant 0 : i32
      %dma_start3A_215 = tpu.memref_slice %arg16[%dma_start3A_213, %dma_start3A_214] : memref<10000x128xf32, #tpu.memory_space<vmem_shared>> -> memref<10000x128xf32, #tpu.memory_space<vmem_shared>>
      tpu.enqueue_indirect_dma source(%arg13 : memref<50x128xf32, #tpu.memory_space<vmem>>) target(%dma_start3A_215 : memref<10000x128xf32, #tpu.memory_space<vmem_shared>>) offsets(%dma_start3A_212 : memref<50xi32, #tpu.memory_space<vmem>>) semaphore(%arg25 : memref<!tpu.dma_semaphore, #tpu.memory_space<semaphore_mem>>) {add = true}
      %dma_wait3A_216 = arith.constant 1 : i32
      %dma_wait3A_217 = arith.constant 4 : i32
      %dma_wait3A_218 = arith.constant 0 : i32
      %dma_wait3A_219 = tpu.memref_slice %arg8[%dma_wait3A_216, %dma_wait3A_217, %dma_wait3A_218] : memref<2x5x50xi32, #tpu.memory_space<vmem>> -> memref<1x1x50xi32, #tpu.memory_space<vmem>>
      %dma_wait3A_220 = tpu.memref_squeeze %dma_wait3A_219 : memref<1x1x50xi32, #tpu.memory_space<vmem>> -> memref<50xi32, #tpu.memory_space<vmem>>
      %dma_wait3A_221 = arith.constant 0 : i32
      %dma_wait3A_222 = arith.constant 0 : i32
      %dma_wait3A_223 = tpu.memref_slice %arg4[%dma_wait3A_221, %dma_wait3A_222] : memref<10000x128xf32, #tpu.memory_space<hbm>> -> memref<10000x128xf32, #tpu.memory_space<hbm>>
      tpu.wait_indirect_dma semaphore(%arg21 : memref<!tpu.dma_semaphore, #tpu.memory_space<semaphore_mem>>) src(%dma_wait3A_223 : memref<10000x128xf32, #tpu.memory_space<hbm>>) dst(%arg14 : memref<50x128xf32, #tpu.memory_space<vmem>>)
      %dma_start3A_224 = arith.constant 1 : i32
      %dma_start3A_225 = arith.constant 4 : i32
      %dma_start3A_226 = arith.constant 0 : i32
      %dma_start3A_227 = tpu.memref_slice %arg9[%dma_start3A_224, %dma_start3A_225, %dma_start3A_226] : memref<2x5x50xi32, #tpu.memory_space<vmem>> -> memref<1x1x50xi32, #tpu.memory_space<vmem>>
      %dma_start3A_228 = tpu.memref_squeeze %dma_start3A_227 : memref<1x1x50xi32, #tpu.memory_space<vmem>> -> memref<50xi32, #tpu.memory_space<vmem>>
      %dma_start3A_229 = arith.constant 0 : i32
      %dma_start3A_230 = arith.constant 0 : i32
      %dma_start3A_231 = tpu.memref_slice %arg16[%dma_start3A_229, %dma_start3A_230] : memref<10000x128xf32, #tpu.memory_space<vmem_shared>> -> memref<10000x128xf32, #tpu.memory_space<vmem_shared>>
      tpu.enqueue_indirect_dma source(%arg14 : memref<50x128xf32, #tpu.memory_space<vmem>>) target(%dma_start3A_231 : memref<10000x128xf32, #tpu.memory_space<vmem_shared>>) offsets(%dma_start3A_228 : memref<50xi32, #tpu.memory_space<vmem>>) semaphore(%arg26 : memref<!tpu.dma_semaphore, #tpu.memory_space<semaphore_mem>>) {add = true}
      %dma_wait3A_232 = arith.constant 1 : i32
      %dma_wait3A_233 = arith.constant 0 : i32
      %dma_wait3A_234 = arith.constant 0 : i32
      %dma_wait3A_235 = tpu.memref_slice %arg9[%dma_wait3A_232, %dma_wait3A_233, %dma_wait3A_234] : memref<2x5x50xi32, #tpu.memory_space<vmem>> -> memref<1x1x50xi32, #tpu.memory_space<vmem>>
      %dma_wait3A_236 = tpu.memref_squeeze %dma_wait3A_235 : memref<1x1x50xi32, #tpu.memory_space<vmem>> -> memref<50xi32, #tpu.memory_space<vmem>>
      %dma_wait3A_237 = arith.constant 0 : i32
      %dma_wait3A_238 = arith.constant 0 : i32
      %dma_wait3A_239 = tpu.memref_slice %arg16[%dma_wait3A_237, %dma_wait3A_238] : memref<10000x128xf32, #tpu.memory_space<vmem_shared>> -> memref<10000x128xf32, #tpu.memory_space<vmem_shared>>
      tpu.wait_indirect_dma semaphore(%arg22 : memref<!tpu.dma_semaphore, #tpu.memory_space<semaphore_mem>>) src(%arg10 : memref<50x128xf32, #tpu.memory_space<vmem>>) dst(%dma_wait3A_239 : memref<10000x128xf32, #tpu.memory_space<vmem_shared>>)
      %dma_wait3A_240 = arith.constant 1 : i32
      %dma_wait3A_241 = arith.constant 1 : i32
      %dma_wait3A_242 = arith.constant 0 : i32
      %dma_wait3A_243 = tpu.memref_slice %arg9[%dma_wait3A_240, %dma_wait3A_241, %dma_wait3A_242] : memref<2x5x50xi32, #tpu.memory_space<vmem>> -> memref<1x1x50xi32, #tpu.memory_space<vmem>>
      %dma_wait3A_244 = tpu.memref_squeeze %dma_wait3A_243 : memref<1x1x50xi32, #tpu.memory_space<vmem>> -> memref<50xi32, #tpu.memory_space<vmem>>
      %dma_wait3A_245 = arith.constant 0 : i32
      %dma_wait3A_246 = arith.constant 0 : i32
      %dma_wait3A_247 = tpu.memref_slice %arg16[%dma_wait3A_245, %dma_wait3A_246] : memref<10000x128xf32, #tpu.memory_space<vmem_shared>> -> memref<10000x128xf32, #tpu.memory_space<vmem_shared>>
      tpu.wait_indirect_dma semaphore(%arg23 : memref<!tpu.dma_semaphore, #tpu.memory_space<semaphore_mem>>) src(%arg11 : memref<50x128xf32, #tpu.memory_space<vmem>>) dst(%dma_wait3A_247 : memref<10000x128xf32, #tpu.memory_space<vmem_shared>>)
      %dma_wait3A_248 = arith.constant 1 : i32
      %dma_wait3A_249 = arith.constant 2 : i32
      %dma_wait3A_250 = arith.constant 0 : i32
      %dma_wait3A_251 = tpu.memref_slice %arg9[%dma_wait3A_248, %dma_wait3A_249, %dma_wait3A_250] : memref<2x5x50xi32, #tpu.memory_space<vmem>> -> memref<1x1x50xi32, #tpu.memory_space<vmem>>
      %dma_wait3A_252 = tpu.memref_squeeze %dma_wait3A_251 : memref<1x1x50xi32, #tpu.memory_space<vmem>> -> memref<50xi32, #tpu.memory_space<vmem>>
      %dma_wait3A_253 = arith.constant 0 : i32
      %dma_wait3A_254 = arith.constant 0 : i32
      %dma_wait3A_255 = tpu.memref_slice %arg16[%dma_wait3A_253, %dma_wait3A_254] : memref<10000x128xf32, #tpu.memory_space<vmem_shared>> -> memref<10000x128xf32, #tpu.memory_space<vmem_shared>>
      tpu.wait_indirect_dma semaphore(%arg24 : memref<!tpu.dma_semaphore, #tpu.memory_space<semaphore_mem>>) src(%arg12 : memref<50x128xf32, #tpu.memory_space<vmem>>) dst(%dma_wait3A_255 : memref<10000x128xf32, #tpu.memory_space<vmem_shared>>)
      %dma_wait3A_256 = arith.constant 1 : i32
      %dma_wait3A_257 = arith.constant 3 : i32
      %dma_wait3A_258 = arith.constant 0 : i32
      %dma_wait3A_259 = tpu.memref_slice %arg9[%dma_wait3A_256, %dma_wait3A_257, %dma_wait3A_258] : memref<2x5x50xi32, #tpu.memory_space<vmem>> -> memref<1x1x50xi32, #tpu.memory_space<vmem>>
      %dma_wait3A_260 = tpu.memref_squeeze %dma_wait3A_259 : memref<1x1x50xi32, #tpu.memory_space<vmem>> -> memref<50xi32, #tpu.memory_space<vmem>>
      %dma_wait3A_261 = arith.constant 0 : i32
      %dma_wait3A_262 = arith.constant 0 : i32
      %dma_wait3A_263 = tpu.memref_slice %arg16[%dma_wait3A_261, %dma_wait3A_262] : memref<10000x128xf32, #tpu.memory_space<vmem_shared>> -> memref<10000x128xf32, #tpu.memory_space<vmem_shared>>
      tpu.wait_indirect_dma semaphore(%arg25 : memref<!tpu.dma_semaphore, #tpu.memory_space<semaphore_mem>>) src(%arg13 : memref<50x128xf32, #tpu.memory_space<vmem>>) dst(%dma_wait3A_263 : memref<10000x128xf32, #tpu.memory_space<vmem_shared>>)
      %dma_wait3A_264 = arith.constant 1 : i32
      %dma_wait3A_265 = arith.constant 4 : i32
      %dma_wait3A_266 = arith.constant 0 : i32
      %dma_wait3A_267 = tpu.memref_slice %arg9[%dma_wait3A_264, %dma_wait3A_265, %dma_wait3A_266] : memref<2x5x50xi32, #tpu.memory_space<vmem>> -> memref<1x1x50xi32, #tpu.memory_space<vmem>>
      %dma_wait3A_268 = tpu.memref_squeeze %dma_wait3A_267 : memref<1x1x50xi32, #tpu.memory_space<vmem>> -> memref<50xi32, #tpu.memory_space<vmem>>
      %dma_wait3A_269 = arith.constant 0 : i32
      %dma_wait3A_270 = arith.constant 0 : i32
      %dma_wait3A_271 = tpu.memref_slice %arg16[%dma_wait3A_269, %dma_wait3A_270] : memref<10000x128xf32, #tpu.memory_space<vmem_shared>> -> memref<10000x128xf32, #tpu.memory_space<vmem_shared>>
      tpu.wait_indirect_dma semaphore(%arg26 : memref<!tpu.dma_semaphore, #tpu.memory_space<semaphore_mem>>) src(%arg14 : memref<50x128xf32, #tpu.memory_space<vmem>>) dst(%dma_wait3A_271 : memref<10000x128xf32, #tpu.memory_space<vmem_shared>>)
    } else {
    }
    %eq3A_20 = arith.constant 1 : i32
    %eq3A_21 = arith.cmpi eq, %arg0, %eq3A_20 : i32
    %convert_element_type3A_22 = arith.extui %eq3A_21 : i1 to i32
    %cond3A_23 = arith.constant 0 : i32
    %cond3A_24 = arith.cmpi ne, %convert_element_type3A_22, %cond3A_23 : i32
    scf.if %cond3A_24 {
      %dma_start3A = arith.constant 0 : i32
      %dma_start3A_36 = arith.constant 0 : i32
      %dma_start3A_37 = arith.constant 0 : i32
      %dma_start3A_38 = arith.constant 0 : i32
      %dma_start3A_39 = tpu.memref_slice %arg8[%dma_start3A_36, %dma_start3A_37, %dma_start3A_38] : memref<2x5x50xi32, #tpu.memory_space<vmem>> -> memref<1x5x50xi32, #tpu.memory_space<vmem>>
      %dma_start3A_40 = tpu.memref_squeeze %dma_start3A_39 : memref<1x5x50xi32, #tpu.memory_space<vmem>> -> memref<5x50xi32, #tpu.memory_space<vmem>>
      %dma_start3A_41 = arith.constant 0 : i32
      %dma_start3A_42 = arith.constant 0 : i32
      %dma_start3A_43 = tpu.memref_slice %arg2[%arg1, %dma_start3A, %dma_start3A_41, %dma_start3A_42] : memref<16x80x5x50xi32, #tpu.memory_space<hbm>> -> memref<1x1x5x50xi32, #tpu.memory_space<hbm>>
      %dma_start3A_44 = tpu.memref_squeeze %dma_start3A_43 : memref<1x1x5x50xi32, #tpu.memory_space<hbm>> -> memref<5x50xi32, #tpu.memory_space<hbm>>
      %dma_start3A_45 = arith.constant 0 : i32
      %dma_start3A_46 = arith.constant 0 : i32
      %dma_start3A_47 = tpu.memref_slice %arg8[%dma_start3A_36, %dma_start3A_45, %dma_start3A_46] : memref<2x5x50xi32, #tpu.memory_space<vmem>> -> memref<1x5x50xi32, #tpu.memory_space<vmem>>
      %dma_start3A_48 = tpu.memref_squeeze %dma_start3A_47 : memref<1x5x50xi32, #tpu.memory_space<vmem>> -> memref<5x50xi32, #tpu.memory_space<vmem>>
      %dma_start3A_49 = arith.constant 0 : i32
      %dma_start3A_50 = arith.constant 0 : i32
      %dma_start3A_51 = tpu.memref_slice %arg2[%arg1, %dma_start3A, %dma_start3A_49, %dma_start3A_50] : memref<16x80x5x50xi32, #tpu.memory_space<hbm>> -> memref<1x1x5x50xi32, #tpu.memory_space<hbm>>
      %dma_start3A_52 = tpu.memref_squeeze %dma_start3A_51 : memref<1x1x5x50xi32, #tpu.memory_space<hbm>> -> memref<5x50xi32, #tpu.memory_space<hbm>>
      tpu.enqueue_dma source(%dma_start3A_52 : memref<5x50xi32, #tpu.memory_space<hbm>>) target(%dma_start3A_48 : memref<5x50xi32, #tpu.memory_space<vmem>>) target_semaphore(%arg27 : memref<!tpu.dma_semaphore, #tpu.memory_space<semaphore_mem>>)
      %dma_start3A_53 = arith.constant 0 : i32
      %dma_start3A_54 = arith.constant 0 : i32
      %dma_start3A_55 = arith.constant 0 : i32
      %dma_start3A_56 = arith.constant 0 : i32
      %dma_start3A_57 = tpu.memref_slice %arg9[%dma_start3A_54, %dma_start3A_55, %dma_start3A_56] : memref<2x5x50xi32, #tpu.memory_space<vmem>> -> memref<1x5x50xi32, #tpu.memory_space<vmem>>
      %dma_start3A_58 = tpu.memref_squeeze %dma_start3A_57 : memref<1x5x50xi32, #tpu.memory_space<vmem>> -> memref<5x50xi32, #tpu.memory_space<vmem>>
      %dma_start3A_59 = arith.constant 0 : i32
      %dma_start3A_60 = arith.constant 0 : i32
      %dma_start3A_61 = tpu.memref_slice %arg3[%arg1, %dma_start3A_53, %dma_start3A_59, %dma_start3A_60] : memref<16x80x5x50xi32, #tpu.memory_space<hbm>> -> memref<1x1x5x50xi32, #tpu.memory_space<hbm>>
      %dma_start3A_62 = tpu.memref_squeeze %dma_start3A_61 : memref<1x1x5x50xi32, #tpu.memory_space<hbm>> -> memref<5x50xi32, #tpu.memory_space<hbm>>
      %dma_start3A_63 = arith.constant 0 : i32
      %dma_start3A_64 = arith.constant 0 : i32
      %dma_start3A_65 = tpu.memref_slice %arg9[%dma_start3A_54, %dma_start3A_63, %dma_start3A_64] : memref<2x5x50xi32, #tpu.memory_space<vmem>> -> memref<1x5x50xi32, #tpu.memory_space<vmem>>
      %dma_start3A_66 = tpu.memref_squeeze %dma_start3A_65 : memref<1x5x50xi32, #tpu.memory_space<vmem>> -> memref<5x50xi32, #tpu.memory_space<vmem>>
      %dma_start3A_67 = arith.constant 0 : i32
      %dma_start3A_68 = arith.constant 0 : i32
      %dma_start3A_69 = tpu.memref_slice %arg3[%arg1, %dma_start3A_53, %dma_start3A_67, %dma_start3A_68] : memref<16x80x5x50xi32, #tpu.memory_space<hbm>> -> memref<1x1x5x50xi32, #tpu.memory_space<hbm>>
      %dma_start3A_70 = tpu.memref_squeeze %dma_start3A_69 : memref<1x1x5x50xi32, #tpu.memory_space<hbm>> -> memref<5x50xi32, #tpu.memory_space<hbm>>
      tpu.enqueue_dma source(%dma_start3A_70 : memref<5x50xi32, #tpu.memory_space<hbm>>) target(%dma_start3A_66 : memref<5x50xi32, #tpu.memory_space<vmem>>) target_semaphore(%arg28 : memref<!tpu.dma_semaphore, #tpu.memory_space<semaphore_mem>>)
      %dma_wait3A = arith.constant 0 : i32
      %dma_wait3A_71 = arith.constant 0 : i32
      %dma_wait3A_72 = arith.constant 0 : i32
      %dma_wait3A_73 = arith.constant 0 : i32
      %dma_wait3A_74 = tpu.memref_slice %arg8[%dma_wait3A_71, %dma_wait3A_72, %dma_wait3A_73] : memref<2x5x50xi32, #tpu.memory_space<vmem>> -> memref<1x5x50xi32, #tpu.memory_space<vmem>>
      %dma_wait3A_75 = tpu.memref_squeeze %dma_wait3A_74 : memref<1x5x50xi32, #tpu.memory_space<vmem>> -> memref<5x50xi32, #tpu.memory_space<vmem>>
      %dma_wait3A_76 = arith.constant 0 : i32
      %dma_wait3A_77 = arith.constant 0 : i32
      %dma_wait3A_78 = tpu.memref_slice %arg2[%arg1, %dma_wait3A, %dma_wait3A_76, %dma_wait3A_77] : memref<16x80x5x50xi32, #tpu.memory_space<hbm>> -> memref<1x1x5x50xi32, #tpu.memory_space<hbm>>
      %dma_wait3A_79 = tpu.memref_squeeze %dma_wait3A_78 : memref<1x1x5x50xi32, #tpu.memory_space<hbm>> -> memref<5x50xi32, #tpu.memory_space<hbm>>
      %dma_wait3A_80 = arith.constant 0 : i32
      %dma_wait3A_81 = arith.constant 0 : i32
      %dma_wait3A_82 = tpu.memref_slice %arg8[%dma_wait3A_71, %dma_wait3A_80, %dma_wait3A_81] : memref<2x5x50xi32, #tpu.memory_space<vmem>> -> memref<1x5x50xi32, #tpu.memory_space<vmem>>
      %dma_wait3A_83 = tpu.memref_squeeze %dma_wait3A_82 : memref<1x5x50xi32, #tpu.memory_space<vmem>> -> memref<5x50xi32, #tpu.memory_space<vmem>>
      %dma_wait3A_84 = arith.constant 0 : i32
      %dma_wait3A_85 = arith.constant 0 : i32
      %dma_wait3A_86 = tpu.memref_slice %arg2[%arg1, %dma_wait3A, %dma_wait3A_84, %dma_wait3A_85] : memref<16x80x5x50xi32, #tpu.memory_space<hbm>> -> memref<1x1x5x50xi32, #tpu.memory_space<hbm>>
      %dma_wait3A_87 = tpu.memref_squeeze %dma_wait3A_86 : memref<1x1x5x50xi32, #tpu.memory_space<hbm>> -> memref<5x50xi32, #tpu.memory_space<hbm>>
      tpu.wait_dma2 semaphore(%arg27 : memref<!tpu.dma_semaphore, #tpu.memory_space<semaphore_mem>>) src(%dma_wait3A_87 : memref<5x50xi32, #tpu.memory_space<hbm>>) dst(%dma_wait3A_83 : memref<5x50xi32, #tpu.memory_space<vmem>>)
      %dma_wait3A_88 = arith.constant 0 : i32
      %dma_wait3A_89 = arith.constant 0 : i32
      %dma_wait3A_90 = arith.constant 0 : i32
      %dma_wait3A_91 = arith.constant 0 : i32
      %dma_wait3A_92 = tpu.memref_slice %arg9[%dma_wait3A_89, %dma_wait3A_90, %dma_wait3A_91] : memref<2x5x50xi32, #tpu.memory_space<vmem>> -> memref<1x5x50xi32, #tpu.memory_space<vmem>>
      %dma_wait3A_93 = tpu.memref_squeeze %dma_wait3A_92 : memref<1x5x50xi32, #tpu.memory_space<vmem>> -> memref<5x50xi32, #tpu.memory_space<vmem>>
      %dma_wait3A_94 = arith.constant 0 : i32
      %dma_wait3A_95 = arith.constant 0 : i32
      %dma_wait3A_96 = tpu.memref_slice %arg3[%arg1, %dma_wait3A_88, %dma_wait3A_94, %dma_wait3A_95] : memref<16x80x5x50xi32, #tpu.memory_space<hbm>> -> memref<1x1x5x50xi32, #tpu.memory_space<hbm>>
      %dma_wait3A_97 = tpu.memref_squeeze %dma_wait3A_96 : memref<1x1x5x50xi32, #tpu.memory_space<hbm>> -> memref<5x50xi32, #tpu.memory_space<hbm>>
      %dma_wait3A_98 = arith.constant 0 : i32
      %dma_wait3A_99 = arith.constant 0 : i32
      %dma_wait3A_100 = tpu.memref_slice %arg9[%dma_wait3A_89, %dma_wait3A_98, %dma_wait3A_99] : memref<2x5x50xi32, #tpu.memory_space<vmem>> -> memref<1x5x50xi32, #tpu.memory_space<vmem>>
      %dma_wait3A_101 = tpu.memref_squeeze %dma_wait3A_100 : memref<1x5x50xi32, #tpu.memory_space<vmem>> -> memref<5x50xi32, #tpu.memory_space<vmem>>
      %dma_wait3A_102 = arith.constant 0 : i32
      %dma_wait3A_103 = arith.constant 0 : i32
      %dma_wait3A_104 = tpu.memref_slice %arg3[%arg1, %dma_wait3A_88, %dma_wait3A_102, %dma_wait3A_103] : memref<16x80x5x50xi32, #tpu.memory_space<hbm>> -> memref<1x1x5x50xi32, #tpu.memory_space<hbm>>
      %dma_wait3A_105 = tpu.memref_squeeze %dma_wait3A_104 : memref<1x1x5x50xi32, #tpu.memory_space<hbm>> -> memref<5x50xi32, #tpu.memory_space<hbm>>
      tpu.wait_dma2 semaphore(%arg28 : memref<!tpu.dma_semaphore, #tpu.memory_space<semaphore_mem>>) src(%dma_wait3A_105 : memref<5x50xi32, #tpu.memory_space<hbm>>) dst(%dma_wait3A_101 : memref<5x50xi32, #tpu.memory_space<vmem>>)
      %dma_start3A_106 = arith.constant 0 : i32
      %dma_start3A_107 = arith.constant 0 : i32
      %dma_start3A_108 = arith.constant 0 : i32
      %dma_start3A_109 = tpu.memref_slice %arg8[%dma_start3A_106, %dma_start3A_107, %dma_start3A_108] : memref<2x5x50xi32, #tpu.memory_space<vmem>> -> memref<1x1x50xi32, #tpu.memory_space<vmem>>
      %dma_start3A_110 = tpu.memref_squeeze %dma_start3A_109 : memref<1x1x50xi32, #tpu.memory_space<vmem>> -> memref<50xi32, #tpu.memory_space<vmem>>
      %dma_start3A_111 = arith.constant 0 : i32
      %dma_start3A_112 = arith.constant 0 : i32
      %dma_start3A_113 = tpu.memref_slice %arg5[%dma_start3A_111, %dma_start3A_112] : memref<10000x128xf32, #tpu.memory_space<hbm>> -> memref<10000x128xf32, #tpu.memory_space<hbm>>
      tpu.enqueue_indirect_dma source(%dma_start3A_113 : memref<10000x128xf32, #tpu.memory_space<hbm>>) target(%arg10 : memref<50x128xf32, #tpu.memory_space<vmem>>) offsets(%dma_start3A_110 : memref<50xi32, #tpu.memory_space<vmem>>) semaphore(%arg17 : memref<!tpu.dma_semaphore, #tpu.memory_space<semaphore_mem>>)
      %dma_start3A_114 = arith.constant 0 : i32
      %dma_start3A_115 = arith.constant 1 : i32
      %dma_start3A_116 = arith.constant 0 : i32
      %dma_start3A_117 = tpu.memref_slice %arg8[%dma_start3A_114, %dma_start3A_115, %dma_start3A_116] : memref<2x5x50xi32, #tpu.memory_space<vmem>> -> memref<1x1x50xi32, #tpu.memory_space<vmem>>
      %dma_start3A_118 = tpu.memref_squeeze %dma_start3A_117 : memref<1x1x50xi32, #tpu.memory_space<vmem>> -> memref<50xi32, #tpu.memory_space<vmem>>
      %dma_start3A_119 = arith.constant 0 : i32
      %dma_start3A_120 = arith.constant 0 : i32
      %dma_start3A_121 = tpu.memref_slice %arg5[%dma_start3A_119, %dma_start3A_120] : memref<10000x128xf32, #tpu.memory_space<hbm>> -> memref<10000x128xf32, #tpu.memory_space<hbm>>
      tpu.enqueue_indirect_dma source(%dma_start3A_121 : memref<10000x128xf32, #tpu.memory_space<hbm>>) target(%arg11 : memref<50x128xf32, #tpu.memory_space<vmem>>) offsets(%dma_start3A_118 : memref<50xi32, #tpu.memory_space<vmem>>) semaphore(%arg18 : memref<!tpu.dma_semaphore, #tpu.memory_space<semaphore_mem>>)
      %dma_start3A_122 = arith.constant 0 : i32
      %dma_start3A_123 = arith.constant 2 : i32
      %dma_start3A_124 = arith.constant 0 : i32
      %dma_start3A_125 = tpu.memref_slice %arg8[%dma_start3A_122, %dma_start3A_123, %dma_start3A_124] : memref<2x5x50xi32, #tpu.memory_space<vmem>> -> memref<1x1x50xi32, #tpu.memory_space<vmem>>
      %dma_start3A_126 = tpu.memref_squeeze %dma_start3A_125 : memref<1x1x50xi32, #tpu.memory_space<vmem>> -> memref<50xi32, #tpu.memory_space<vmem>>
      %dma_start3A_127 = arith.constant 0 : i32
      %dma_start3A_128 = arith.constant 0 : i32
      %dma_start3A_129 = tpu.memref_slice %arg5[%dma_start3A_127, %dma_start3A_128] : memref<10000x128xf32, #tpu.memory_space<hbm>> -> memref<10000x128xf32, #tpu.memory_space<hbm>>
      tpu.enqueue_indirect_dma source(%dma_start3A_129 : memref<10000x128xf32, #tpu.memory_space<hbm>>) target(%arg12 : memref<50x128xf32, #tpu.memory_space<vmem>>) offsets(%dma_start3A_126 : memref<50xi32, #tpu.memory_space<vmem>>) semaphore(%arg19 : memref<!tpu.dma_semaphore, #tpu.memory_space<semaphore_mem>>)
      %dma_start3A_130 = arith.constant 0 : i32
      %dma_start3A_131 = arith.constant 3 : i32
      %dma_start3A_132 = arith.constant 0 : i32
      %dma_start3A_133 = tpu.memref_slice %arg8[%dma_start3A_130, %dma_start3A_131, %dma_start3A_132] : memref<2x5x50xi32, #tpu.memory_space<vmem>> -> memref<1x1x50xi32, #tpu.memory_space<vmem>>
      %dma_start3A_134 = tpu.memref_squeeze %dma_start3A_133 : memref<1x1x50xi32, #tpu.memory_space<vmem>> -> memref<50xi32, #tpu.memory_space<vmem>>
      %dma_start3A_135 = arith.constant 0 : i32
      %dma_start3A_136 = arith.constant 0 : i32
      %dma_start3A_137 = tpu.memref_slice %arg5[%dma_start3A_135, %dma_start3A_136] : memref<10000x128xf32, #tpu.memory_space<hbm>> -> memref<10000x128xf32, #tpu.memory_space<hbm>>
      tpu.enqueue_indirect_dma source(%dma_start3A_137 : memref<10000x128xf32, #tpu.memory_space<hbm>>) target(%arg13 : memref<50x128xf32, #tpu.memory_space<vmem>>) offsets(%dma_start3A_134 : memref<50xi32, #tpu.memory_space<vmem>>) semaphore(%arg20 : memref<!tpu.dma_semaphore, #tpu.memory_space<semaphore_mem>>)
      %dma_start3A_138 = arith.constant 0 : i32
      %dma_start3A_139 = arith.constant 4 : i32
      %dma_start3A_140 = arith.constant 0 : i32
      %dma_start3A_141 = tpu.memref_slice %arg8[%dma_start3A_138, %dma_start3A_139, %dma_start3A_140] : memref<2x5x50xi32, #tpu.memory_space<vmem>> -> memref<1x1x50xi32, #tpu.memory_space<vmem>>
      %dma_start3A_142 = tpu.memref_squeeze %dma_start3A_141 : memref<1x1x50xi32, #tpu.memory_space<vmem>> -> memref<50xi32, #tpu.memory_space<vmem>>
      %dma_start3A_143 = arith.constant 0 : i32
      %dma_start3A_144 = arith.constant 0 : i32
      %dma_start3A_145 = tpu.memref_slice %arg5[%dma_start3A_143, %dma_start3A_144] : memref<10000x128xf32, #tpu.memory_space<hbm>> -> memref<10000x128xf32, #tpu.memory_space<hbm>>
      tpu.enqueue_indirect_dma source(%dma_start3A_145 : memref<10000x128xf32, #tpu.memory_space<hbm>>) target(%arg14 : memref<50x128xf32, #tpu.memory_space<vmem>>) offsets(%dma_start3A_142 : memref<50xi32, #tpu.memory_space<vmem>>) semaphore(%arg21 : memref<!tpu.dma_semaphore, #tpu.memory_space<semaphore_mem>>)
      %scan3A_146 = arith.constant 0 : i32
      %scan3A_147 = arith.constant 0 : i32
      %scan3A_148 = arith.constant 79 : i32
      %scan3A_149 = arith.addi %scan3A_147, %scan3A_148 : i32
      %scan3A_150 = arith.constant 1 : i32
      scf.for %scan3A_272 = %scan3A_147 to %scan3A_149 step %scan3A_150  : i32 {
        %rem3A = arith.constant 2 : i32
        %rem3A_273 = arith.remsi %scan3A_272, %rem3A : i32
        %add3A_274 = arith.constant 1 : i32
        %add3A_275 = arith.addi %scan3A_272, %add3A_274 : i32
        %rem3A_276 = arith.constant 2 : i32
        %rem3A_277 = arith.remsi %add3A_275, %rem3A_276 : i32
        %add3A_278 = arith.constant 1 : i32
        %add3A_279 = arith.addi %scan3A_272, %add3A_278 : i32
        %dma_start3A_280 = arith.constant 0 : i32
        %dma_start3A_281 = arith.constant 0 : i32
        %dma_start3A_282 = tpu.memref_slice %arg8[%rem3A_277, %dma_start3A_280, %dma_start3A_281] : memref<2x5x50xi32, #tpu.memory_space<vmem>> -> memref<1x5x50xi32, #tpu.memory_space<vmem>>
        %dma_start3A_283 = tpu.memref_squeeze %dma_start3A_282 : memref<1x5x50xi32, #tpu.memory_space<vmem>> -> memref<5x50xi32, #tpu.memory_space<vmem>>
        %dma_start3A_284 = arith.constant 0 : i32
        %dma_start3A_285 = arith.constant 0 : i32
        %dma_start3A_286 = tpu.memref_slice %arg2[%arg1, %add3A_279, %dma_start3A_284, %dma_start3A_285] : memref<16x80x5x50xi32, #tpu.memory_space<hbm>> -> memref<1x1x5x50xi32, #tpu.memory_space<hbm>>
        %dma_start3A_287 = tpu.memref_squeeze %dma_start3A_286 : memref<1x1x5x50xi32, #tpu.memory_space<hbm>> -> memref<5x50xi32, #tpu.memory_space<hbm>>
        %dma_start3A_288 = arith.constant 0 : i32
        %dma_start3A_289 = arith.constant 0 : i32
        %dma_start3A_290 = tpu.memref_slice %arg8[%rem3A_277, %dma_start3A_288, %dma_start3A_289] : memref<2x5x50xi32, #tpu.memory_space<vmem>> -> memref<1x5x50xi32, #tpu.memory_space<vmem>>
        %dma_start3A_291 = tpu.memref_squeeze %dma_start3A_290 : memref<1x5x50xi32, #tpu.memory_space<vmem>> -> memref<5x50xi32, #tpu.memory_space<vmem>>
        %dma_start3A_292 = arith.constant 0 : i32
        %dma_start3A_293 = arith.constant 0 : i32
        %dma_start3A_294 = tpu.memref_slice %arg2[%arg1, %add3A_279, %dma_start3A_292, %dma_start3A_293] : memref<16x80x5x50xi32, #tpu.memory_space<hbm>> -> memref<1x1x5x50xi32, #tpu.memory_space<hbm>>
        %dma_start3A_295 = tpu.memref_squeeze %dma_start3A_294 : memref<1x1x5x50xi32, #tpu.memory_space<hbm>> -> memref<5x50xi32, #tpu.memory_space<hbm>>
        tpu.enqueue_dma source(%dma_start3A_295 : memref<5x50xi32, #tpu.memory_space<hbm>>) target(%dma_start3A_291 : memref<5x50xi32, #tpu.memory_space<vmem>>) target_semaphore(%arg27 : memref<!tpu.dma_semaphore, #tpu.memory_space<semaphore_mem>>)
        %dma_start3A_296 = arith.constant 0 : i32
        %dma_start3A_297 = arith.constant 0 : i32
        %dma_start3A_298 = tpu.memref_slice %arg9[%rem3A_277, %dma_start3A_296, %dma_start3A_297] : memref<2x5x50xi32, #tpu.memory_space<vmem>> -> memref<1x5x50xi32, #tpu.memory_space<vmem>>
        %dma_start3A_299 = tpu.memref_squeeze %dma_start3A_298 : memref<1x5x50xi32, #tpu.memory_space<vmem>> -> memref<5x50xi32, #tpu.memory_space<vmem>>
        %dma_start3A_300 = arith.constant 0 : i32
        %dma_start3A_301 = arith.constant 0 : i32
        %dma_start3A_302 = tpu.memref_slice %arg3[%arg1, %add3A_279, %dma_start3A_300, %dma_start3A_301] : memref<16x80x5x50xi32, #tpu.memory_space<hbm>> -> memref<1x1x5x50xi32, #tpu.memory_space<hbm>>
        %dma_start3A_303 = tpu.memref_squeeze %dma_start3A_302 : memref<1x1x5x50xi32, #tpu.memory_space<hbm>> -> memref<5x50xi32, #tpu.memory_space<hbm>>
        %dma_start3A_304 = arith.constant 0 : i32
        %dma_start3A_305 = arith.constant 0 : i32
        %dma_start3A_306 = tpu.memref_slice %arg9[%rem3A_277, %dma_start3A_304, %dma_start3A_305] : memref<2x5x50xi32, #tpu.memory_space<vmem>> -> memref<1x5x50xi32, #tpu.memory_space<vmem>>
        %dma_start3A_307 = tpu.memref_squeeze %dma_start3A_306 : memref<1x5x50xi32, #tpu.memory_space<vmem>> -> memref<5x50xi32, #tpu.memory_space<vmem>>
        %dma_start3A_308 = arith.constant 0 : i32
        %dma_start3A_309 = arith.constant 0 : i32
        %dma_start3A_310 = tpu.memref_slice %arg3[%arg1, %add3A_279, %dma_start3A_308, %dma_start3A_309] : memref<16x80x5x50xi32, #tpu.memory_space<hbm>> -> memref<1x1x5x50xi32, #tpu.memory_space<hbm>>
        %dma_start3A_311 = tpu.memref_squeeze %dma_start3A_310 : memref<1x1x5x50xi32, #tpu.memory_space<hbm>> -> memref<5x50xi32, #tpu.memory_space<hbm>>
        tpu.enqueue_dma source(%dma_start3A_311 : memref<5x50xi32, #tpu.memory_space<hbm>>) target(%dma_start3A_307 : memref<5x50xi32, #tpu.memory_space<vmem>>) target_semaphore(%arg28 : memref<!tpu.dma_semaphore, #tpu.memory_space<semaphore_mem>>)
        %dma_wait3A_312 = arith.constant 0 : i32
        %dma_wait3A_313 = arith.constant 0 : i32
        %dma_wait3A_314 = tpu.memref_slice %arg8[%rem3A_273, %dma_wait3A_312, %dma_wait3A_313] : memref<2x5x50xi32, #tpu.memory_space<vmem>> -> memref<1x1x50xi32, #tpu.memory_space<vmem>>
        %dma_wait3A_315 = tpu.memref_squeeze %dma_wait3A_314 : memref<1x1x50xi32, #tpu.memory_space<vmem>> -> memref<50xi32, #tpu.memory_space<vmem>>
        %dma_wait3A_316 = arith.constant 0 : i32
        %dma_wait3A_317 = arith.constant 0 : i32
        %dma_wait3A_318 = tpu.memref_slice %arg5[%dma_wait3A_316, %dma_wait3A_317] : memref<10000x128xf32, #tpu.memory_space<hbm>> -> memref<10000x128xf32, #tpu.memory_space<hbm>>
        tpu.wait_indirect_dma semaphore(%arg17 : memref<!tpu.dma_semaphore, #tpu.memory_space<semaphore_mem>>) src(%dma_wait3A_318 : memref<10000x128xf32, #tpu.memory_space<hbm>>) dst(%arg10 : memref<50x128xf32, #tpu.memory_space<vmem>>)
        %dma_start3A_319 = arith.constant 0 : i32
        %dma_start3A_320 = arith.constant 0 : i32
        %dma_start3A_321 = tpu.memref_slice %arg9[%rem3A_273, %dma_start3A_319, %dma_start3A_320] : memref<2x5x50xi32, #tpu.memory_space<vmem>> -> memref<1x1x50xi32, #tpu.memory_space<vmem>>
        %dma_start3A_322 = tpu.memref_squeeze %dma_start3A_321 : memref<1x1x50xi32, #tpu.memory_space<vmem>> -> memref<50xi32, #tpu.memory_space<vmem>>
        %dma_start3A_323 = arith.constant 0 : i32
        %dma_start3A_324 = arith.constant 0 : i32
        %dma_start3A_325 = tpu.memref_slice %arg16[%dma_start3A_323, %dma_start3A_324] : memref<10000x128xf32, #tpu.memory_space<vmem_shared>> -> memref<10000x128xf32, #tpu.memory_space<vmem_shared>>
        tpu.enqueue_indirect_dma source(%arg10 : memref<50x128xf32, #tpu.memory_space<vmem>>) target(%dma_start3A_325 : memref<10000x128xf32, #tpu.memory_space<vmem_shared>>) offsets(%dma_start3A_322 : memref<50xi32, #tpu.memory_space<vmem>>) semaphore(%arg22 : memref<!tpu.dma_semaphore, #tpu.memory_space<semaphore_mem>>) {add = true}
        %dma_wait3A_326 = arith.constant 1 : i32
        %dma_wait3A_327 = arith.constant 0 : i32
        %dma_wait3A_328 = tpu.memref_slice %arg8[%rem3A_273, %dma_wait3A_326, %dma_wait3A_327] : memref<2x5x50xi32, #tpu.memory_space<vmem>> -> memref<1x1x50xi32, #tpu.memory_space<vmem>>
        %dma_wait3A_329 = tpu.memref_squeeze %dma_wait3A_328 : memref<1x1x50xi32, #tpu.memory_space<vmem>> -> memref<50xi32, #tpu.memory_space<vmem>>
        %dma_wait3A_330 = arith.constant 0 : i32
        %dma_wait3A_331 = arith.constant 0 : i32
        %dma_wait3A_332 = tpu.memref_slice %arg5[%dma_wait3A_330, %dma_wait3A_331] : memref<10000x128xf32, #tpu.memory_space<hbm>> -> memref<10000x128xf32, #tpu.memory_space<hbm>>
        tpu.wait_indirect_dma semaphore(%arg18 : memref<!tpu.dma_semaphore, #tpu.memory_space<semaphore_mem>>) src(%dma_wait3A_332 : memref<10000x128xf32, #tpu.memory_space<hbm>>) dst(%arg11 : memref<50x128xf32, #tpu.memory_space<vmem>>)
        %dma_start3A_333 = arith.constant 1 : i32
        %dma_start3A_334 = arith.constant 0 : i32
        %dma_start3A_335 = tpu.memref_slice %arg9[%rem3A_273, %dma_start3A_333, %dma_start3A_334] : memref<2x5x50xi32, #tpu.memory_space<vmem>> -> memref<1x1x50xi32, #tpu.memory_space<vmem>>
        %dma_start3A_336 = tpu.memref_squeeze %dma_start3A_335 : memref<1x1x50xi32, #tpu.memory_space<vmem>> -> memref<50xi32, #tpu.memory_space<vmem>>
        %dma_start3A_337 = arith.constant 0 : i32
        %dma_start3A_338 = arith.constant 0 : i32
        %dma_start3A_339 = tpu.memref_slice %arg16[%dma_start3A_337, %dma_start3A_338] : memref<10000x128xf32, #tpu.memory_space<vmem_shared>> -> memref<10000x128xf32, #tpu.memory_space<vmem_shared>>
        tpu.enqueue_indirect_dma source(%arg11 : memref<50x128xf32, #tpu.memory_space<vmem>>) target(%dma_start3A_339 : memref<10000x128xf32, #tpu.memory_space<vmem_shared>>) offsets(%dma_start3A_336 : memref<50xi32, #tpu.memory_space<vmem>>) semaphore(%arg23 : memref<!tpu.dma_semaphore, #tpu.memory_space<semaphore_mem>>) {add = true}
        %dma_wait3A_340 = arith.constant 2 : i32
        %dma_wait3A_341 = arith.constant 0 : i32
        %dma_wait3A_342 = tpu.memref_slice %arg8[%rem3A_273, %dma_wait3A_340, %dma_wait3A_341] : memref<2x5x50xi32, #tpu.memory_space<vmem>> -> memref<1x1x50xi32, #tpu.memory_space<vmem>>
        %dma_wait3A_343 = tpu.memref_squeeze %dma_wait3A_342 : memref<1x1x50xi32, #tpu.memory_space<vmem>> -> memref<50xi32, #tpu.memory_space<vmem>>
        %dma_wait3A_344 = arith.constant 0 : i32
        %dma_wait3A_345 = arith.constant 0 : i32
        %dma_wait3A_346 = tpu.memref_slice %arg5[%dma_wait3A_344, %dma_wait3A_345] : memref<10000x128xf32, #tpu.memory_space<hbm>> -> memref<10000x128xf32, #tpu.memory_space<hbm>>
        tpu.wait_indirect_dma semaphore(%arg19 : memref<!tpu.dma_semaphore, #tpu.memory_space<semaphore_mem>>) src(%dma_wait3A_346 : memref<10000x128xf32, #tpu.memory_space<hbm>>) dst(%arg12 : memref<50x128xf32, #tpu.memory_space<vmem>>)
        %dma_start3A_347 = arith.constant 2 : i32
        %dma_start3A_348 = arith.constant 0 : i32
        %dma_start3A_349 = tpu.memref_slice %arg9[%rem3A_273, %dma_start3A_347, %dma_start3A_348] : memref<2x5x50xi32, #tpu.memory_space<vmem>> -> memref<1x1x50xi32, #tpu.memory_space<vmem>>
        %dma_start3A_350 = tpu.memref_squeeze %dma_start3A_349 : memref<1x1x50xi32, #tpu.memory_space<vmem>> -> memref<50xi32, #tpu.memory_space<vmem>>
        %dma_start3A_351 = arith.constant 0 : i32
        %dma_start3A_352 = arith.constant 0 : i32
        %dma_start3A_353 = tpu.memref_slice %arg16[%dma_start3A_351, %dma_start3A_352] : memref<10000x128xf32, #tpu.memory_space<vmem_shared>> -> memref<10000x128xf32, #tpu.memory_space<vmem_shared>>
        tpu.enqueue_indirect_dma source(%arg12 : memref<50x128xf32, #tpu.memory_space<vmem>>) target(%dma_start3A_353 : memref<10000x128xf32, #tpu.memory_space<vmem_shared>>) offsets(%dma_start3A_350 : memref<50xi32, #tpu.memory_space<vmem>>) semaphore(%arg24 : memref<!tpu.dma_semaphore, #tpu.memory_space<semaphore_mem>>) {add = true}
        %dma_wait3A_354 = arith.constant 3 : i32
        %dma_wait3A_355 = arith.constant 0 : i32
        %dma_wait3A_356 = tpu.memref_slice %arg8[%rem3A_273, %dma_wait3A_354, %dma_wait3A_355] : memref<2x5x50xi32, #tpu.memory_space<vmem>> -> memref<1x1x50xi32, #tpu.memory_space<vmem>>
        %dma_wait3A_357 = tpu.memref_squeeze %dma_wait3A_356 : memref<1x1x50xi32, #tpu.memory_space<vmem>> -> memref<50xi32, #tpu.memory_space<vmem>>
        %dma_wait3A_358 = arith.constant 0 : i32
        %dma_wait3A_359 = arith.constant 0 : i32
        %dma_wait3A_360 = tpu.memref_slice %arg5[%dma_wait3A_358, %dma_wait3A_359] : memref<10000x128xf32, #tpu.memory_space<hbm>> -> memref<10000x128xf32, #tpu.memory_space<hbm>>
        tpu.wait_indirect_dma semaphore(%arg20 : memref<!tpu.dma_semaphore, #tpu.memory_space<semaphore_mem>>) src(%dma_wait3A_360 : memref<10000x128xf32, #tpu.memory_space<hbm>>) dst(%arg13 : memref<50x128xf32, #tpu.memory_space<vmem>>)
        %dma_start3A_361 = arith.constant 3 : i32
        %dma_start3A_362 = arith.constant 0 : i32
        %dma_start3A_363 = tpu.memref_slice %arg9[%rem3A_273, %dma_start3A_361, %dma_start3A_362] : memref<2x5x50xi32, #tpu.memory_space<vmem>> -> memref<1x1x50xi32, #tpu.memory_space<vmem>>
        %dma_start3A_364 = tpu.memref_squeeze %dma_start3A_363 : memref<1x1x50xi32, #tpu.memory_space<vmem>> -> memref<50xi32, #tpu.memory_space<vmem>>
        %dma_start3A_365 = arith.constant 0 : i32
        %dma_start3A_366 = arith.constant 0 : i32
        %dma_start3A_367 = tpu.memref_slice %arg16[%dma_start3A_365, %dma_start3A_366] : memref<10000x128xf32, #tpu.memory_space<vmem_shared>> -> memref<10000x128xf32, #tpu.memory_space<vmem_shared>>
        tpu.enqueue_indirect_dma source(%arg13 : memref<50x128xf32, #tpu.memory_space<vmem>>) target(%dma_start3A_367 : memref<10000x128xf32, #tpu.memory_space<vmem_shared>>) offsets(%dma_start3A_364 : memref<50xi32, #tpu.memory_space<vmem>>) semaphore(%arg25 : memref<!tpu.dma_semaphore, #tpu.memory_space<semaphore_mem>>) {add = true}
        %dma_wait3A_368 = arith.constant 4 : i32
        %dma_wait3A_369 = arith.constant 0 : i32
        %dma_wait3A_370 = tpu.memref_slice %arg8[%rem3A_273, %dma_wait3A_368, %dma_wait3A_369] : memref<2x5x50xi32, #tpu.memory_space<vmem>> -> memref<1x1x50xi32, #tpu.memory_space<vmem>>
        %dma_wait3A_371 = tpu.memref_squeeze %dma_wait3A_370 : memref<1x1x50xi32, #tpu.memory_space<vmem>> -> memref<50xi32, #tpu.memory_space<vmem>>
        %dma_wait3A_372 = arith.constant 0 : i32
        %dma_wait3A_373 = arith.constant 0 : i32
        %dma_wait3A_374 = tpu.memref_slice %arg5[%dma_wait3A_372, %dma_wait3A_373] : memref<10000x128xf32, #tpu.memory_space<hbm>> -> memref<10000x128xf32, #tpu.memory_space<hbm>>
        tpu.wait_indirect_dma semaphore(%arg21 : memref<!tpu.dma_semaphore, #tpu.memory_space<semaphore_mem>>) src(%dma_wait3A_374 : memref<10000x128xf32, #tpu.memory_space<hbm>>) dst(%arg14 : memref<50x128xf32, #tpu.memory_space<vmem>>)
        %dma_start3A_375 = arith.constant 4 : i32
        %dma_start3A_376 = arith.constant 0 : i32
        %dma_start3A_377 = tpu.memref_slice %arg9[%rem3A_273, %dma_start3A_375, %dma_start3A_376] : memref<2x5x50xi32, #tpu.memory_space<vmem>> -> memref<1x1x50xi32, #tpu.memory_space<vmem>>
        %dma_start3A_378 = tpu.memref_squeeze %dma_start3A_377 : memref<1x1x50xi32, #tpu.memory_space<vmem>> -> memref<50xi32, #tpu.memory_space<vmem>>
        %dma_start3A_379 = arith.constant 0 : i32
        %dma_start3A_380 = arith.constant 0 : i32
        %dma_start3A_381 = tpu.memref_slice %arg16[%dma_start3A_379, %dma_start3A_380] : memref<10000x128xf32, #tpu.memory_space<vmem_shared>> -> memref<10000x128xf32, #tpu.memory_space<vmem_shared>>
        tpu.enqueue_indirect_dma source(%arg14 : memref<50x128xf32, #tpu.memory_space<vmem>>) target(%dma_start3A_381 : memref<10000x128xf32, #tpu.memory_space<vmem_shared>>) offsets(%dma_start3A_378 : memref<50xi32, #tpu.memory_space<vmem>>) semaphore(%arg26 : memref<!tpu.dma_semaphore, #tpu.memory_space<semaphore_mem>>) {add = true}
        %add3A_382 = arith.constant 1 : i32
        %add3A_383 = arith.addi %scan3A_272, %add3A_382 : i32
        %dma_wait3A_384 = arith.constant 0 : i32
        %dma_wait3A_385 = arith.constant 0 : i32
        %dma_wait3A_386 = tpu.memref_slice %arg8[%rem3A_277, %dma_wait3A_384, %dma_wait3A_385] : memref<2x5x50xi32, #tpu.memory_space<vmem>> -> memref<1x5x50xi32, #tpu.memory_space<vmem>>
        %dma_wait3A_387 = tpu.memref_squeeze %dma_wait3A_386 : memref<1x5x50xi32, #tpu.memory_space<vmem>> -> memref<5x50xi32, #tpu.memory_space<vmem>>
        %dma_wait3A_388 = arith.constant 0 : i32
        %dma_wait3A_389 = arith.constant 0 : i32
        %dma_wait3A_390 = tpu.memref_slice %arg2[%arg1, %add3A_383, %dma_wait3A_388, %dma_wait3A_389] : memref<16x80x5x50xi32, #tpu.memory_space<hbm>> -> memref<1x1x5x50xi32, #tpu.memory_space<hbm>>
        %dma_wait3A_391 = tpu.memref_squeeze %dma_wait3A_390 : memref<1x1x5x50xi32, #tpu.memory_space<hbm>> -> memref<5x50xi32, #tpu.memory_space<hbm>>
        %dma_wait3A_392 = arith.constant 0 : i32
        %dma_wait3A_393 = arith.constant 0 : i32
        %dma_wait3A_394 = tpu.memref_slice %arg8[%rem3A_277, %dma_wait3A_392, %dma_wait3A_393] : memref<2x5x50xi32, #tpu.memory_space<vmem>> -> memref<1x5x50xi32, #tpu.memory_space<vmem>>
        %dma_wait3A_395 = tpu.memref_squeeze %dma_wait3A_394 : memref<1x5x50xi32, #tpu.memory_space<vmem>> -> memref<5x50xi32, #tpu.memory_space<vmem>>
        %dma_wait3A_396 = arith.constant 0 : i32
        %dma_wait3A_397 = arith.constant 0 : i32
        %dma_wait3A_398 = tpu.memref_slice %arg2[%arg1, %add3A_383, %dma_wait3A_396, %dma_wait3A_397] : memref<16x80x5x50xi32, #tpu.memory_space<hbm>> -> memref<1x1x5x50xi32, #tpu.memory_space<hbm>>
        %dma_wait3A_399 = tpu.memref_squeeze %dma_wait3A_398 : memref<1x1x5x50xi32, #tpu.memory_space<hbm>> -> memref<5x50xi32, #tpu.memory_space<hbm>>
        tpu.wait_dma2 semaphore(%arg27 : memref<!tpu.dma_semaphore, #tpu.memory_space<semaphore_mem>>) src(%dma_wait3A_399 : memref<5x50xi32, #tpu.memory_space<hbm>>) dst(%dma_wait3A_395 : memref<5x50xi32, #tpu.memory_space<vmem>>)
        %dma_wait3A_400 = arith.constant 0 : i32
        %dma_wait3A_401 = arith.constant 0 : i32
        %dma_wait3A_402 = tpu.memref_slice %arg9[%rem3A_277, %dma_wait3A_400, %dma_wait3A_401] : memref<2x5x50xi32, #tpu.memory_space<vmem>> -> memref<1x5x50xi32, #tpu.memory_space<vmem>>
        %dma_wait3A_403 = tpu.memref_squeeze %dma_wait3A_402 : memref<1x5x50xi32, #tpu.memory_space<vmem>> -> memref<5x50xi32, #tpu.memory_space<vmem>>
        %dma_wait3A_404 = arith.constant 0 : i32
        %dma_wait3A_405 = arith.constant 0 : i32
        %dma_wait3A_406 = tpu.memref_slice %arg3[%arg1, %add3A_383, %dma_wait3A_404, %dma_wait3A_405] : memref<16x80x5x50xi32, #tpu.memory_space<hbm>> -> memref<1x1x5x50xi32, #tpu.memory_space<hbm>>
        %dma_wait3A_407 = tpu.memref_squeeze %dma_wait3A_406 : memref<1x1x5x50xi32, #tpu.memory_space<hbm>> -> memref<5x50xi32, #tpu.memory_space<hbm>>
        %dma_wait3A_408 = arith.constant 0 : i32
        %dma_wait3A_409 = arith.constant 0 : i32
        %dma_wait3A_410 = tpu.memref_slice %arg9[%rem3A_277, %dma_wait3A_408, %dma_wait3A_409] : memref<2x5x50xi32, #tpu.memory_space<vmem>> -> memref<1x5x50xi32, #tpu.memory_space<vmem>>
        %dma_wait3A_411 = tpu.memref_squeeze %dma_wait3A_410 : memref<1x5x50xi32, #tpu.memory_space<vmem>> -> memref<5x50xi32, #tpu.memory_space<vmem>>
        %dma_wait3A_412 = arith.constant 0 : i32
        %dma_wait3A_413 = arith.constant 0 : i32
        %dma_wait3A_414 = tpu.memref_slice %arg3[%arg1, %add3A_383, %dma_wait3A_412, %dma_wait3A_413] : memref<16x80x5x50xi32, #tpu.memory_space<hbm>> -> memref<1x1x5x50xi32, #tpu.memory_space<hbm>>
        %dma_wait3A_415 = tpu.memref_squeeze %dma_wait3A_414 : memref<1x1x5x50xi32, #tpu.memory_space<hbm>> -> memref<5x50xi32, #tpu.memory_space<hbm>>
        tpu.wait_dma2 semaphore(%arg28 : memref<!tpu.dma_semaphore, #tpu.memory_space<semaphore_mem>>) src(%dma_wait3A_415 : memref<5x50xi32, #tpu.memory_space<hbm>>) dst(%dma_wait3A_411 : memref<5x50xi32, #tpu.memory_space<vmem>>)
        %dma_wait3A_416 = arith.constant 0 : i32
        %dma_wait3A_417 = arith.constant 0 : i32
        %dma_wait3A_418 = tpu.memref_slice %arg9[%rem3A_273, %dma_wait3A_416, %dma_wait3A_417] : memref<2x5x50xi32, #tpu.memory_space<vmem>> -> memref<1x1x50xi32, #tpu.memory_space<vmem>>
        %dma_wait3A_419 = tpu.memref_squeeze %dma_wait3A_418 : memref<1x1x50xi32, #tpu.memory_space<vmem>> -> memref<50xi32, #tpu.memory_space<vmem>>
        %dma_wait3A_420 = arith.constant 0 : i32
        %dma_wait3A_421 = arith.constant 0 : i32
        %dma_wait3A_422 = tpu.memref_slice %arg16[%dma_wait3A_420, %dma_wait3A_421] : memref<10000x128xf32, #tpu.memory_space<vmem_shared>> -> memref<10000x128xf32, #tpu.memory_space<vmem_shared>>
        tpu.wait_indirect_dma semaphore(%arg22 : memref<!tpu.dma_semaphore, #tpu.memory_space<semaphore_mem>>) src(%arg10 : memref<50x128xf32, #tpu.memory_space<vmem>>) dst(%dma_wait3A_422 : memref<10000x128xf32, #tpu.memory_space<vmem_shared>>)
        %dma_start3A_423 = arith.constant 0 : i32
        %dma_start3A_424 = arith.constant 0 : i32
        %dma_start3A_425 = tpu.memref_slice %arg8[%rem3A_277, %dma_start3A_423, %dma_start3A_424] : memref<2x5x50xi32, #tpu.memory_space<vmem>> -> memref<1x1x50xi32, #tpu.memory_space<vmem>>
        %dma_start3A_426 = tpu.memref_squeeze %dma_start3A_425 : memref<1x1x50xi32, #tpu.memory_space<vmem>> -> memref<50xi32, #tpu.memory_space<vmem>>
        %dma_start3A_427 = arith.constant 0 : i32
        %dma_start3A_428 = arith.constant 0 : i32
        %dma_start3A_429 = tpu.memref_slice %arg5[%dma_start3A_427, %dma_start3A_428] : memref<10000x128xf32, #tpu.memory_space<hbm>> -> memref<10000x128xf32, #tpu.memory_space<hbm>>
        tpu.enqueue_indirect_dma source(%dma_start3A_429 : memref<10000x128xf32, #tpu.memory_space<hbm>>) target(%arg10 : memref<50x128xf32, #tpu.memory_space<vmem>>) offsets(%dma_start3A_426 : memref<50xi32, #tpu.memory_space<vmem>>) semaphore(%arg17 : memref<!tpu.dma_semaphore, #tpu.memory_space<semaphore_mem>>)
        %dma_wait3A_430 = arith.constant 1 : i32
        %dma_wait3A_431 = arith.constant 0 : i32
        %dma_wait3A_432 = tpu.memref_slice %arg9[%rem3A_273, %dma_wait3A_430, %dma_wait3A_431] : memref<2x5x50xi32, #tpu.memory_space<vmem>> -> memref<1x1x50xi32, #tpu.memory_space<vmem>>
        %dma_wait3A_433 = tpu.memref_squeeze %dma_wait3A_432 : memref<1x1x50xi32, #tpu.memory_space<vmem>> -> memref<50xi32, #tpu.memory_space<vmem>>
        %dma_wait3A_434 = arith.constant 0 : i32
        %dma_wait3A_435 = arith.constant 0 : i32
        %dma_wait3A_436 = tpu.memref_slice %arg16[%dma_wait3A_434, %dma_wait3A_435] : memref<10000x128xf32, #tpu.memory_space<vmem_shared>> -> memref<10000x128xf32, #tpu.memory_space<vmem_shared>>
        tpu.wait_indirect_dma semaphore(%arg23 : memref<!tpu.dma_semaphore, #tpu.memory_space<semaphore_mem>>) src(%arg11 : memref<50x128xf32, #tpu.memory_space<vmem>>) dst(%dma_wait3A_436 : memref<10000x128xf32, #tpu.memory_space<vmem_shared>>)
        %dma_start3A_437 = arith.constant 1 : i32
        %dma_start3A_438 = arith.constant 0 : i32
        %dma_start3A_439 = tpu.memref_slice %arg8[%rem3A_277, %dma_start3A_437, %dma_start3A_438] : memref<2x5x50xi32, #tpu.memory_space<vmem>> -> memref<1x1x50xi32, #tpu.memory_space<vmem>>
        %dma_start3A_440 = tpu.memref_squeeze %dma_start3A_439 : memref<1x1x50xi32, #tpu.memory_space<vmem>> -> memref<50xi32, #tpu.memory_space<vmem>>
        %dma_start3A_441 = arith.constant 0 : i32
        %dma_start3A_442 = arith.constant 0 : i32
        %dma_start3A_443 = tpu.memref_slice %arg5[%dma_start3A_441, %dma_start3A_442] : memref<10000x128xf32, #tpu.memory_space<hbm>> -> memref<10000x128xf32, #tpu.memory_space<hbm>>
        tpu.enqueue_indirect_dma source(%dma_start3A_443 : memref<10000x128xf32, #tpu.memory_space<hbm>>) target(%arg11 : memref<50x128xf32, #tpu.memory_space<vmem>>) offsets(%dma_start3A_440 : memref<50xi32, #tpu.memory_space<vmem>>) semaphore(%arg18 : memref<!tpu.dma_semaphore, #tpu.memory_space<semaphore_mem>>)
        %dma_wait3A_444 = arith.constant 2 : i32
        %dma_wait3A_445 = arith.constant 0 : i32
        %dma_wait3A_446 = tpu.memref_slice %arg9[%rem3A_273, %dma_wait3A_444, %dma_wait3A_445] : memref<2x5x50xi32, #tpu.memory_space<vmem>> -> memref<1x1x50xi32, #tpu.memory_space<vmem>>
        %dma_wait3A_447 = tpu.memref_squeeze %dma_wait3A_446 : memref<1x1x50xi32, #tpu.memory_space<vmem>> -> memref<50xi32, #tpu.memory_space<vmem>>
        %dma_wait3A_448 = arith.constant 0 : i32
        %dma_wait3A_449 = arith.constant 0 : i32
        %dma_wait3A_450 = tpu.memref_slice %arg16[%dma_wait3A_448, %dma_wait3A_449] : memref<10000x128xf32, #tpu.memory_space<vmem_shared>> -> memref<10000x128xf32, #tpu.memory_space<vmem_shared>>
        tpu.wait_indirect_dma semaphore(%arg24 : memref<!tpu.dma_semaphore, #tpu.memory_space<semaphore_mem>>) src(%arg12 : memref<50x128xf32, #tpu.memory_space<vmem>>) dst(%dma_wait3A_450 : memref<10000x128xf32, #tpu.memory_space<vmem_shared>>)
        %dma_start3A_451 = arith.constant 2 : i32
        %dma_start3A_452 = arith.constant 0 : i32
        %dma_start3A_453 = tpu.memref_slice %arg8[%rem3A_277, %dma_start3A_451, %dma_start3A_452] : memref<2x5x50xi32, #tpu.memory_space<vmem>> -> memref<1x1x50xi32, #tpu.memory_space<vmem>>
        %dma_start3A_454 = tpu.memref_squeeze %dma_start3A_453 : memref<1x1x50xi32, #tpu.memory_space<vmem>> -> memref<50xi32, #tpu.memory_space<vmem>>
        %dma_start3A_455 = arith.constant 0 : i32
        %dma_start3A_456 = arith.constant 0 : i32
        %dma_start3A_457 = tpu.memref_slice %arg5[%dma_start3A_455, %dma_start3A_456] : memref<10000x128xf32, #tpu.memory_space<hbm>> -> memref<10000x128xf32, #tpu.memory_space<hbm>>
        tpu.enqueue_indirect_dma source(%dma_start3A_457 : memref<10000x128xf32, #tpu.memory_space<hbm>>) target(%arg12 : memref<50x128xf32, #tpu.memory_space<vmem>>) offsets(%dma_start3A_454 : memref<50xi32, #tpu.memory_space<vmem>>) semaphore(%arg19 : memref<!tpu.dma_semaphore, #tpu.memory_space<semaphore_mem>>)
        %dma_wait3A_458 = arith.constant 3 : i32
        %dma_wait3A_459 = arith.constant 0 : i32
        %dma_wait3A_460 = tpu.memref_slice %arg9[%rem3A_273, %dma_wait3A_458, %dma_wait3A_459] : memref<2x5x50xi32, #tpu.memory_space<vmem>> -> memref<1x1x50xi32, #tpu.memory_space<vmem>>
        %dma_wait3A_461 = tpu.memref_squeeze %dma_wait3A_460 : memref<1x1x50xi32, #tpu.memory_space<vmem>> -> memref<50xi32, #tpu.memory_space<vmem>>
        %dma_wait3A_462 = arith.constant 0 : i32
        %dma_wait3A_463 = arith.constant 0 : i32
        %dma_wait3A_464 = tpu.memref_slice %arg16[%dma_wait3A_462, %dma_wait3A_463] : memref<10000x128xf32, #tpu.memory_space<vmem_shared>> -> memref<10000x128xf32, #tpu.memory_space<vmem_shared>>
        tpu.wait_indirect_dma semaphore(%arg25 : memref<!tpu.dma_semaphore, #tpu.memory_space<semaphore_mem>>) src(%arg13 : memref<50x128xf32, #tpu.memory_space<vmem>>) dst(%dma_wait3A_464 : memref<10000x128xf32, #tpu.memory_space<vmem_shared>>)
        %dma_start3A_465 = arith.constant 3 : i32
        %dma_start3A_466 = arith.constant 0 : i32
        %dma_start3A_467 = tpu.memref_slice %arg8[%rem3A_277, %dma_start3A_465, %dma_start3A_466] : memref<2x5x50xi32, #tpu.memory_space<vmem>> -> memref<1x1x50xi32, #tpu.memory_space<vmem>>
        %dma_start3A_468 = tpu.memref_squeeze %dma_start3A_467 : memref<1x1x50xi32, #tpu.memory_space<vmem>> -> memref<50xi32, #tpu.memory_space<vmem>>
        %dma_start3A_469 = arith.constant 0 : i32
        %dma_start3A_470 = arith.constant 0 : i32
        %dma_start3A_471 = tpu.memref_slice %arg5[%dma_start3A_469, %dma_start3A_470] : memref<10000x128xf32, #tpu.memory_space<hbm>> -> memref<10000x128xf32, #tpu.memory_space<hbm>>
        tpu.enqueue_indirect_dma source(%dma_start3A_471 : memref<10000x128xf32, #tpu.memory_space<hbm>>) target(%arg13 : memref<50x128xf32, #tpu.memory_space<vmem>>) offsets(%dma_start3A_468 : memref<50xi32, #tpu.memory_space<vmem>>) semaphore(%arg20 : memref<!tpu.dma_semaphore, #tpu.memory_space<semaphore_mem>>)
        %dma_wait3A_472 = arith.constant 4 : i32
        %dma_wait3A_473 = arith.constant 0 : i32
        %dma_wait3A_474 = tpu.memref_slice %arg9[%rem3A_273, %dma_wait3A_472, %dma_wait3A_473] : memref<2x5x50xi32, #tpu.memory_space<vmem>> -> memref<1x1x50xi32, #tpu.memory_space<vmem>>
        %dma_wait3A_475 = tpu.memref_squeeze %dma_wait3A_474 : memref<1x1x50xi32, #tpu.memory_space<vmem>> -> memref<50xi32, #tpu.memory_space<vmem>>
        %dma_wait3A_476 = arith.constant 0 : i32
        %dma_wait3A_477 = arith.constant 0 : i32
        %dma_wait3A_478 = tpu.memref_slice %arg16[%dma_wait3A_476, %dma_wait3A_477] : memref<10000x128xf32, #tpu.memory_space<vmem_shared>> -> memref<10000x128xf32, #tpu.memory_space<vmem_shared>>
        tpu.wait_indirect_dma semaphore(%arg26 : memref<!tpu.dma_semaphore, #tpu.memory_space<semaphore_mem>>) src(%arg14 : memref<50x128xf32, #tpu.memory_space<vmem>>) dst(%dma_wait3A_478 : memref<10000x128xf32, #tpu.memory_space<vmem_shared>>)
        %dma_start3A_479 = arith.constant 4 : i32
        %dma_start3A_480 = arith.constant 0 : i32
        %dma_start3A_481 = tpu.memref_slice %arg8[%rem3A_277, %dma_start3A_479, %dma_start3A_480] : memref<2x5x50xi32, #tpu.memory_space<vmem>> -> memref<1x1x50xi32, #tpu.memory_space<vmem>>
        %dma_start3A_482 = tpu.memref_squeeze %dma_start3A_481 : memref<1x1x50xi32, #tpu.memory_space<vmem>> -> memref<50xi32, #tpu.memory_space<vmem>>
        %dma_start3A_483 = arith.constant 0 : i32
        %dma_start3A_484 = arith.constant 0 : i32
        %dma_start3A_485 = tpu.memref_slice %arg5[%dma_start3A_483, %dma_start3A_484] : memref<10000x128xf32, #tpu.memory_space<hbm>> -> memref<10000x128xf32, #tpu.memory_space<hbm>>
        tpu.enqueue_indirect_dma source(%dma_start3A_485 : memref<10000x128xf32, #tpu.memory_space<hbm>>) target(%arg14 : memref<50x128xf32, #tpu.memory_space<vmem>>) offsets(%dma_start3A_482 : memref<50xi32, #tpu.memory_space<vmem>>) semaphore(%arg21 : memref<!tpu.dma_semaphore, #tpu.memory_space<semaphore_mem>>)
      }
      %scan3A_151 = arith.constant 79 : i32
      %dma_wait3A_152 = arith.constant 1 : i32
      %dma_wait3A_153 = arith.constant 0 : i32
      %dma_wait3A_154 = arith.constant 0 : i32
      %dma_wait3A_155 = tpu.memref_slice %arg8[%dma_wait3A_152, %dma_wait3A_153, %dma_wait3A_154] : memref<2x5x50xi32, #tpu.memory_space<vmem>> -> memref<1x1x50xi32, #tpu.memory_space<vmem>>
      %dma_wait3A_156 = tpu.memref_squeeze %dma_wait3A_155 : memref<1x1x50xi32, #tpu.memory_space<vmem>> -> memref<50xi32, #tpu.memory_space<vmem>>
      %dma_wait3A_157 = arith.constant 0 : i32
      %dma_wait3A_158 = arith.constant 0 : i32
      %dma_wait3A_159 = tpu.memref_slice %arg5[%dma_wait3A_157, %dma_wait3A_158] : memref<10000x128xf32, #tpu.memory_space<hbm>> -> memref<10000x128xf32, #tpu.memory_space<hbm>>
      tpu.wait_indirect_dma semaphore(%arg17 : memref<!tpu.dma_semaphore, #tpu.memory_space<semaphore_mem>>) src(%dma_wait3A_159 : memref<10000x128xf32, #tpu.memory_space<hbm>>) dst(%arg10 : memref<50x128xf32, #tpu.memory_space<vmem>>)
      %dma_start3A_160 = arith.constant 1 : i32
      %dma_start3A_161 = arith.constant 0 : i32
      %dma_start3A_162 = arith.constant 0 : i32
      %dma_start3A_163 = tpu.memref_slice %arg9[%dma_start3A_160, %dma_start3A_161, %dma_start3A_162] : memref<2x5x50xi32, #tpu.memory_space<vmem>> -> memref<1x1x50xi32, #tpu.memory_space<vmem>>
      %dma_start3A_164 = tpu.memref_squeeze %dma_start3A_163 : memref<1x1x50xi32, #tpu.memory_space<vmem>> -> memref<50xi32, #tpu.memory_space<vmem>>
      %dma_start3A_165 = arith.constant 0 : i32
      %dma_start3A_166 = arith.constant 0 : i32
      %dma_start3A_167 = tpu.memref_slice %arg16[%dma_start3A_165, %dma_start3A_166] : memref<10000x128xf32, #tpu.memory_space<vmem_shared>> -> memref<10000x128xf32, #tpu.memory_space<vmem_shared>>
      tpu.enqueue_indirect_dma source(%arg10 : memref<50x128xf32, #tpu.memory_space<vmem>>) target(%dma_start3A_167 : memref<10000x128xf32, #tpu.memory_space<vmem_shared>>) offsets(%dma_start3A_164 : memref<50xi32, #tpu.memory_space<vmem>>) semaphore(%arg22 : memref<!tpu.dma_semaphore, #tpu.memory_space<semaphore_mem>>) {add = true}
      %dma_wait3A_168 = arith.constant 1 : i32
      %dma_wait3A_169 = arith.constant 1 : i32
      %dma_wait3A_170 = arith.constant 0 : i32
      %dma_wait3A_171 = tpu.memref_slice %arg8[%dma_wait3A_168, %dma_wait3A_169, %dma_wait3A_170] : memref<2x5x50xi32, #tpu.memory_space<vmem>> -> memref<1x1x50xi32, #tpu.memory_space<vmem>>
      %dma_wait3A_172 = tpu.memref_squeeze %dma_wait3A_171 : memref<1x1x50xi32, #tpu.memory_space<vmem>> -> memref<50xi32, #tpu.memory_space<vmem>>
      %dma_wait3A_173 = arith.constant 0 : i32
      %dma_wait3A_174 = arith.constant 0 : i32
      %dma_wait3A_175 = tpu.memref_slice %arg5[%dma_wait3A_173, %dma_wait3A_174] : memref<10000x128xf32, #tpu.memory_space<hbm>> -> memref<10000x128xf32, #tpu.memory_space<hbm>>
      tpu.wait_indirect_dma semaphore(%arg18 : memref<!tpu.dma_semaphore, #tpu.memory_space<semaphore_mem>>) src(%dma_wait3A_175 : memref<10000x128xf32, #tpu.memory_space<hbm>>) dst(%arg11 : memref<50x128xf32, #tpu.memory_space<vmem>>)
      %dma_start3A_176 = arith.constant 1 : i32
      %dma_start3A_177 = arith.constant 1 : i32
      %dma_start3A_178 = arith.constant 0 : i32
      %dma_start3A_179 = tpu.memref_slice %arg9[%dma_start3A_176, %dma_start3A_177, %dma_start3A_178] : memref<2x5x50xi32, #tpu.memory_space<vmem>> -> memref<1x1x50xi32, #tpu.memory_space<vmem>>
      %dma_start3A_180 = tpu.memref_squeeze %dma_start3A_179 : memref<1x1x50xi32, #tpu.memory_space<vmem>> -> memref<50xi32, #tpu.memory_space<vmem>>
      %dma_start3A_181 = arith.constant 0 : i32
      %dma_start3A_182 = arith.constant 0 : i32
      %dma_start3A_183 = tpu.memref_slice %arg16[%dma_start3A_181, %dma_start3A_182] : memref<10000x128xf32, #tpu.memory_space<vmem_shared>> -> memref<10000x128xf32, #tpu.memory_space<vmem_shared>>
      tpu.enqueue_indirect_dma source(%arg11 : memref<50x128xf32, #tpu.memory_space<vmem>>) target(%dma_start3A_183 : memref<10000x128xf32, #tpu.memory_space<vmem_shared>>) offsets(%dma_start3A_180 : memref<50xi32, #tpu.memory_space<vmem>>) semaphore(%arg23 : memref<!tpu.dma_semaphore, #tpu.memory_space<semaphore_mem>>) {add = true}
      %dma_wait3A_184 = arith.constant 1 : i32
      %dma_wait3A_185 = arith.constant 2 : i32
      %dma_wait3A_186 = arith.constant 0 : i32
      %dma_wait3A_187 = tpu.memref_slice %arg8[%dma_wait3A_184, %dma_wait3A_185, %dma_wait3A_186] : memref<2x5x50xi32, #tpu.memory_space<vmem>> -> memref<1x1x50xi32, #tpu.memory_space<vmem>>
      %dma_wait3A_188 = tpu.memref_squeeze %dma_wait3A_187 : memref<1x1x50xi32, #tpu.memory_space<vmem>> -> memref<50xi32, #tpu.memory_space<vmem>>
      %dma_wait3A_189 = arith.constant 0 : i32
      %dma_wait3A_190 = arith.constant 0 : i32
      %dma_wait3A_191 = tpu.memref_slice %arg5[%dma_wait3A_189, %dma_wait3A_190] : memref<10000x128xf32, #tpu.memory_space<hbm>> -> memref<10000x128xf32, #tpu.memory_space<hbm>>
      tpu.wait_indirect_dma semaphore(%arg19 : memref<!tpu.dma_semaphore, #tpu.memory_space<semaphore_mem>>) src(%dma_wait3A_191 : memref<10000x128xf32, #tpu.memory_space<hbm>>) dst(%arg12 : memref<50x128xf32, #tpu.memory_space<vmem>>)
      %dma_start3A_192 = arith.constant 1 : i32
      %dma_start3A_193 = arith.constant 2 : i32
      %dma_start3A_194 = arith.constant 0 : i32
      %dma_start3A_195 = tpu.memref_slice %arg9[%dma_start3A_192, %dma_start3A_193, %dma_start3A_194] : memref<2x5x50xi32, #tpu.memory_space<vmem>> -> memref<1x1x50xi32, #tpu.memory_space<vmem>>
      %dma_start3A_196 = tpu.memref_squeeze %dma_start3A_195 : memref<1x1x50xi32, #tpu.memory_space<vmem>> -> memref<50xi32, #tpu.memory_space<vmem>>
      %dma_start3A_197 = arith.constant 0 : i32
      %dma_start3A_198 = arith.constant 0 : i32
      %dma_start3A_199 = tpu.memref_slice %arg16[%dma_start3A_197, %dma_start3A_198] : memref<10000x128xf32, #tpu.memory_space<vmem_shared>> -> memref<10000x128xf32, #tpu.memory_space<vmem_shared>>
      tpu.enqueue_indirect_dma source(%arg12 : memref<50x128xf32, #tpu.memory_space<vmem>>) target(%dma_start3A_199 : memref<10000x128xf32, #tpu.memory_space<vmem_shared>>) offsets(%dma_start3A_196 : memref<50xi32, #tpu.memory_space<vmem>>) semaphore(%arg24 : memref<!tpu.dma_semaphore, #tpu.memory_space<semaphore_mem>>) {add = true}
      %dma_wait3A_200 = arith.constant 1 : i32
      %dma_wait3A_201 = arith.constant 3 : i32
      %dma_wait3A_202 = arith.constant 0 : i32
      %dma_wait3A_203 = tpu.memref_slice %arg8[%dma_wait3A_200, %dma_wait3A_201, %dma_wait3A_202] : memref<2x5x50xi32, #tpu.memory_space<vmem>> -> memref<1x1x50xi32, #tpu.memory_space<vmem>>
      %dma_wait3A_204 = tpu.memref_squeeze %dma_wait3A_203 : memref<1x1x50xi32, #tpu.memory_space<vmem>> -> memref<50xi32, #tpu.memory_space<vmem>>
      %dma_wait3A_205 = arith.constant 0 : i32
      %dma_wait3A_206 = arith.constant 0 : i32
      %dma_wait3A_207 = tpu.memref_slice %arg5[%dma_wait3A_205, %dma_wait3A_206] : memref<10000x128xf32, #tpu.memory_space<hbm>> -> memref<10000x128xf32, #tpu.memory_space<hbm>>
      tpu.wait_indirect_dma semaphore(%arg20 : memref<!tpu.dma_semaphore, #tpu.memory_space<semaphore_mem>>) src(%dma_wait3A_207 : memref<10000x128xf32, #tpu.memory_space<hbm>>) dst(%arg13 : memref<50x128xf32, #tpu.memory_space<vmem>>)
      %dma_start3A_208 = arith.constant 1 : i32
      %dma_start3A_209 = arith.constant 3 : i32
      %dma_start3A_210 = arith.constant 0 : i32
      %dma_start3A_211 = tpu.memref_slice %arg9[%dma_start3A_208, %dma_start3A_209, %dma_start3A_210] : memref<2x5x50xi32, #tpu.memory_space<vmem>> -> memref<1x1x50xi32, #tpu.memory_space<vmem>>
      %dma_start3A_212 = tpu.memref_squeeze %dma_start3A_211 : memref<1x1x50xi32, #tpu.memory_space<vmem>> -> memref<50xi32, #tpu.memory_space<vmem>>
      %dma_start3A_213 = arith.constant 0 : i32
      %dma_start3A_214 = arith.constant 0 : i32
      %dma_start3A_215 = tpu.memref_slice %arg16[%dma_start3A_213, %dma_start3A_214] : memref<10000x128xf32, #tpu.memory_space<vmem_shared>> -> memref<10000x128xf32, #tpu.memory_space<vmem_shared>>
      tpu.enqueue_indirect_dma source(%arg13 : memref<50x128xf32, #tpu.memory_space<vmem>>) target(%dma_start3A_215 : memref<10000x128xf32, #tpu.memory_space<vmem_shared>>) offsets(%dma_start3A_212 : memref<50xi32, #tpu.memory_space<vmem>>) semaphore(%arg25 : memref<!tpu.dma_semaphore, #tpu.memory_space<semaphore_mem>>) {add = true}
      %dma_wait3A_216 = arith.constant 1 : i32
      %dma_wait3A_217 = arith.constant 4 : i32
      %dma_wait3A_218 = arith.constant 0 : i32
      %dma_wait3A_219 = tpu.memref_slice %arg8[%dma_wait3A_216, %dma_wait3A_217, %dma_wait3A_218] : memref<2x5x50xi32, #tpu.memory_space<vmem>> -> memref<1x1x50xi32, #tpu.memory_space<vmem>>
      %dma_wait3A_220 = tpu.memref_squeeze %dma_wait3A_219 : memref<1x1x50xi32, #tpu.memory_space<vmem>> -> memref<50xi32, #tpu.memory_space<vmem>>
      %dma_wait3A_221 = arith.constant 0 : i32
      %dma_wait3A_222 = arith.constant 0 : i32
      %dma_wait3A_223 = tpu.memref_slice %arg5[%dma_wait3A_221, %dma_wait3A_222] : memref<10000x128xf32, #tpu.memory_space<hbm>> -> memref<10000x128xf32, #tpu.memory_space<hbm>>
      tpu.wait_indirect_dma semaphore(%arg21 : memref<!tpu.dma_semaphore, #tpu.memory_space<semaphore_mem>>) src(%dma_wait3A_223 : memref<10000x128xf32, #tpu.memory_space<hbm>>) dst(%arg14 : memref<50x128xf32, #tpu.memory_space<vmem>>)
      %dma_start3A_224 = arith.constant 1 : i32
      %dma_start3A_225 = arith.constant 4 : i32
      %dma_start3A_226 = arith.constant 0 : i32
      %dma_start3A_227 = tpu.memref_slice %arg9[%dma_start3A_224, %dma_start3A_225, %dma_start3A_226] : memref<2x5x50xi32, #tpu.memory_space<vmem>> -> memref<1x1x50xi32, #tpu.memory_space<vmem>>
      %dma_start3A_228 = tpu.memref_squeeze %dma_start3A_227 : memref<1x1x50xi32, #tpu.memory_space<vmem>> -> memref<50xi32, #tpu.memory_space<vmem>>
      %dma_start3A_229 = arith.constant 0 : i32
      %dma_start3A_230 = arith.constant 0 : i32
      %dma_start3A_231 = tpu.memref_slice %arg16[%dma_start3A_229, %dma_start3A_230] : memref<10000x128xf32, #tpu.memory_space<vmem_shared>> -> memref<10000x128xf32, #tpu.memory_space<vmem_shared>>
      tpu.enqueue_indirect_dma source(%arg14 : memref<50x128xf32, #tpu.memory_space<vmem>>) target(%dma_start3A_231 : memref<10000x128xf32, #tpu.memory_space<vmem_shared>>) offsets(%dma_start3A_228 : memref<50xi32, #tpu.memory_space<vmem>>) semaphore(%arg26 : memref<!tpu.dma_semaphore, #tpu.memory_space<semaphore_mem>>) {add = true}
      %dma_wait3A_232 = arith.constant 1 : i32
      %dma_wait3A_233 = arith.constant 0 : i32
      %dma_wait3A_234 = arith.constant 0 : i32
      %dma_wait3A_235 = tpu.memref_slice %arg9[%dma_wait3A_232, %dma_wait3A_233, %dma_wait3A_234] : memref<2x5x50xi32, #tpu.memory_space<vmem>> -> memref<1x1x50xi32, #tpu.memory_space<vmem>>
      %dma_wait3A_236 = tpu.memref_squeeze %dma_wait3A_235 : memref<1x1x50xi32, #tpu.memory_space<vmem>> -> memref<50xi32, #tpu.memory_space<vmem>>
      %dma_wait3A_237 = arith.constant 0 : i32
      %dma_wait3A_238 = arith.constant 0 : i32
      %dma_wait3A_239 = tpu.memref_slice %arg16[%dma_wait3A_237, %dma_wait3A_238] : memref<10000x128xf32, #tpu.memory_space<vmem_shared>> -> memref<10000x128xf32, #tpu.memory_space<vmem_shared>>
      tpu.wait_indirect_dma semaphore(%arg22 : memref<!tpu.dma_semaphore, #tpu.memory_space<semaphore_mem>>) src(%arg10 : memref<50x128xf32, #tpu.memory_space<vmem>>) dst(%dma_wait3A_239 : memref<10000x128xf32, #tpu.memory_space<vmem_shared>>)
      %dma_wait3A_240 = arith.constant 1 : i32
      %dma_wait3A_241 = arith.constant 1 : i32
      %dma_wait3A_242 = arith.constant 0 : i32
      %dma_wait3A_243 = tpu.memref_slice %arg9[%dma_wait3A_240, %dma_wait3A_241, %dma_wait3A_242] : memref<2x5x50xi32, #tpu.memory_space<vmem>> -> memref<1x1x50xi32, #tpu.memory_space<vmem>>
      %dma_wait3A_244 = tpu.memref_squeeze %dma_wait3A_243 : memref<1x1x50xi32, #tpu.memory_space<vmem>> -> memref<50xi32, #tpu.memory_space<vmem>>
      %dma_wait3A_245 = arith.constant 0 : i32
      %dma_wait3A_246 = arith.constant 0 : i32
      %dma_wait3A_247 = tpu.memref_slice %arg16[%dma_wait3A_245, %dma_wait3A_246] : memref<10000x128xf32, #tpu.memory_space<vmem_shared>> -> memref<10000x128xf32, #tpu.memory_space<vmem_shared>>
      tpu.wait_indirect_dma semaphore(%arg23 : memref<!tpu.dma_semaphore, #tpu.memory_space<semaphore_mem>>) src(%arg11 : memref<50x128xf32, #tpu.memory_space<vmem>>) dst(%dma_wait3A_247 : memref<10000x128xf32, #tpu.memory_space<vmem_shared>>)
      %dma_wait3A_248 = arith.constant 1 : i32
      %dma_wait3A_249 = arith.constant 2 : i32
      %dma_wait3A_250 = arith.constant 0 : i32
      %dma_wait3A_251 = tpu.memref_slice %arg9[%dma_wait3A_248, %dma_wait3A_249, %dma_wait3A_250] : memref<2x5x50xi32, #tpu.memory_space<vmem>> -> memref<1x1x50xi32, #tpu.memory_space<vmem>>
      %dma_wait3A_252 = tpu.memref_squeeze %dma_wait3A_251 : memref<1x1x50xi32, #tpu.memory_space<vmem>> -> memref<50xi32, #tpu.memory_space<vmem>>
      %dma_wait3A_253 = arith.constant 0 : i32
      %dma_wait3A_254 = arith.constant 0 : i32
      %dma_wait3A_255 = tpu.memref_slice %arg16[%dma_wait3A_253, %dma_wait3A_254] : memref<10000x128xf32, #tpu.memory_space<vmem_shared>> -> memref<10000x128xf32, #tpu.memory_space<vmem_shared>>
      tpu.wait_indirect_dma semaphore(%arg24 : memref<!tpu.dma_semaphore, #tpu.memory_space<semaphore_mem>>) src(%arg12 : memref<50x128xf32, #tpu.memory_space<vmem>>) dst(%dma_wait3A_255 : memref<10000x128xf32, #tpu.memory_space<vmem_shared>>)
      %dma_wait3A_256 = arith.constant 1 : i32
      %dma_wait3A_257 = arith.constant 3 : i32
      %dma_wait3A_258 = arith.constant 0 : i32
      %dma_wait3A_259 = tpu.memref_slice %arg9[%dma_wait3A_256, %dma_wait3A_257, %dma_wait3A_258] : memref<2x5x50xi32, #tpu.memory_space<vmem>> -> memref<1x1x50xi32, #tpu.memory_space<vmem>>
      %dma_wait3A_260 = tpu.memref_squeeze %dma_wait3A_259 : memref<1x1x50xi32, #tpu.memory_space<vmem>> -> memref<50xi32, #tpu.memory_space<vmem>>
      %dma_wait3A_261 = arith.constant 0 : i32
      %dma_wait3A_262 = arith.constant 0 : i32
      %dma_wait3A_263 = tpu.memref_slice %arg16[%dma_wait3A_261, %dma_wait3A_262] : memref<10000x128xf32, #tpu.memory_space<vmem_shared>> -> memref<10000x128xf32, #tpu.memory_space<vmem_shared>>
      tpu.wait_indirect_dma semaphore(%arg25 : memref<!tpu.dma_semaphore, #tpu.memory_space<semaphore_mem>>) src(%arg13 : memref<50x128xf32, #tpu.memory_space<vmem>>) dst(%dma_wait3A_263 : memref<10000x128xf32, #tpu.memory_space<vmem_shared>>)
      %dma_wait3A_264 = arith.constant 1 : i32
      %dma_wait3A_265 = arith.constant 4 : i32
      %dma_wait3A_266 = arith.constant 0 : i32
      %dma_wait3A_267 = tpu.memref_slice %arg9[%dma_wait3A_264, %dma_wait3A_265, %dma_wait3A_266] : memref<2x5x50xi32, #tpu.memory_space<vmem>> -> memref<1x1x50xi32, #tpu.memory_space<vmem>>
      %dma_wait3A_268 = tpu.memref_squeeze %dma_wait3A_267 : memref<1x1x50xi32, #tpu.memory_space<vmem>> -> memref<50xi32, #tpu.memory_space<vmem>>
      %dma_wait3A_269 = arith.constant 0 : i32
      %dma_wait3A_270 = arith.constant 0 : i32
      %dma_wait3A_271 = tpu.memref_slice %arg16[%dma_wait3A_269, %dma_wait3A_270] : memref<10000x128xf32, #tpu.memory_space<vmem_shared>> -> memref<10000x128xf32, #tpu.memory_space<vmem_shared>>
      tpu.wait_indirect_dma semaphore(%arg26 : memref<!tpu.dma_semaphore, #tpu.memory_space<semaphore_mem>>) src(%arg14 : memref<50x128xf32, #tpu.memory_space<vmem>>) dst(%dma_wait3A_271 : memref<10000x128xf32, #tpu.memory_space<vmem_shared>>)
    } else {
    }
    %barrier3A_25 = arith.constant 0 : index
    tpu.barrier barrier_id(%barrier3A_25)
    %eq3A_26 = arith.constant 0 : i32
    %eq3A_27 = arith.cmpi eq, %arg0, %eq3A_26 : i32
    %convert_element_type3A_28 = arith.extui %eq3A_27 : i1 to i32
    %cond3A_29 = arith.constant 0 : i32
    %cond3A_30 = arith.cmpi ne, %convert_element_type3A_28, %cond3A_29 : i32
    scf.if %cond3A_30 {
      %while3A_36 = arith.constant 0 : i32
      %while3A_37 = arith.constant 0 : i32
      %while3A_38 = arith.subi %add3A_8, %while3A_37 : i32
      %while3A_39 = arith.addi %while3A_37, %while3A_38 : i32
      %while3A_40 = arith.constant 1 : i32
      %while3A_41 = arith.divsi %while3A_38, %while3A_40 : i32
      %while3A_42 = arith.muli %while3A_41, %while3A_40 : i32
      %while3A_43 = arith.addi %while3A_37, %while3A_42 : i32
      %while3A_44 = arith.constant 1 : i32
      scf.for %while3A_46 = %while3A_37 to %while3A_43 step %while3A_44  : i32 {
        %mul3A = arith.constant 16 : i32
        %mul3A_47 = arith.muli %mul3A, %while3A_46 : i32
        %add3A_48 = arith.addi %arg1, %mul3A_47 : i32
        %mul3A_49 = arith.constant 40 : i32
        %mul3A_50 = arith.muli %add3A_48, %mul3A_49 : i32
        "tpu.region"() ({
          %run_scoped3A = tpu.sem_alloc : memref<!tpu.dma_semaphore, #tpu.memory_space<semaphore_mem>>
          %dma_start3A = arith.constant 0 : i32
          %dma_start3A_51 = tpu.memref_slice %arg6[%mul3A_50, %dma_start3A] : memref<10000x128xf32, #tpu.memory_space<hbm>> -> memref<40x128xf32, #tpu.memory_space<hbm>>
          %dma_start3A_52 = arith.constant 0 : i32
          %dma_start3A_53 = tpu.memref_slice %arg16[%mul3A_50, %dma_start3A_52] : memref<10000x128xf32, #tpu.memory_space<vmem_shared>> -> memref<40x128xf32, #tpu.memory_space<vmem_shared>>
          tpu.enqueue_dma source(%dma_start3A_53 : memref<40x128xf32, #tpu.memory_space<vmem_shared>>) target(%dma_start3A_51 : memref<40x128xf32, #tpu.memory_space<hbm>>) target_semaphore(%run_scoped3A : memref<!tpu.dma_semaphore, #tpu.memory_space<semaphore_mem>>)
          %dma_wait3A = arith.constant 0 : i32
          %dma_wait3A_54 = tpu.memref_slice %arg6[%mul3A_50, %dma_wait3A] : memref<10000x128xf32, #tpu.memory_space<hbm>> -> memref<40x128xf32, #tpu.memory_space<hbm>>
          %dma_wait3A_55 = arith.constant 0 : i32
          %dma_wait3A_56 = tpu.memref_slice %arg16[%mul3A_50, %dma_wait3A_55] : memref<10000x128xf32, #tpu.memory_space<vmem_shared>> -> memref<40x128xf32, #tpu.memory_space<vmem_shared>>
          tpu.wait_dma2 semaphore(%run_scoped3A : memref<!tpu.dma_semaphore, #tpu.memory_space<semaphore_mem>>) src(%dma_wait3A_56 : memref<40x128xf32, #tpu.memory_space<vmem_shared>>) dst(%dma_wait3A_54 : memref<40x128xf32, #tpu.memory_space<hbm>>)
          tpu.yield
        }) : () -> ()
      }
      %while3A_45 = arith.constant 1 : i32
      scf.for %while3A_46 = %while3A_43 to %while3A_39 step %while3A_45  : i32 {
        %mul3A = arith.constant 16 : i32
        %mul3A_47 = arith.muli %mul3A, %while3A_46 : i32
        %add3A_48 = arith.addi %arg1, %mul3A_47 : i32
        %mul3A_49 = arith.constant 40 : i32
        %mul3A_50 = arith.muli %add3A_48, %mul3A_49 : i32
        "tpu.region"() ({
          %run_scoped3A = tpu.sem_alloc : memref<!tpu.dma_semaphore, #tpu.memory_space<semaphore_mem>>
          %dma_start3A = arith.constant 0 : i32
          %dma_start3A_51 = tpu.memref_slice %arg6[%mul3A_50, %dma_start3A] : memref<10000x128xf32, #tpu.memory_space<hbm>> -> memref<40x128xf32, #tpu.memory_space<hbm>>
          %dma_start3A_52 = arith.constant 0 : i32
          %dma_start3A_53 = tpu.memref_slice %arg16[%mul3A_50, %dma_start3A_52] : memref<10000x128xf32, #tpu.memory_space<vmem_shared>> -> memref<40x128xf32, #tpu.memory_space<vmem_shared>>
          tpu.enqueue_dma source(%dma_start3A_53 : memref<40x128xf32, #tpu.memory_space<vmem_shared>>) target(%dma_start3A_51 : memref<40x128xf32, #tpu.memory_space<hbm>>) target_semaphore(%run_scoped3A : memref<!tpu.dma_semaphore, #tpu.memory_space<semaphore_mem>>)
          %dma_wait3A = arith.constant 0 : i32
          %dma_wait3A_54 = tpu.memref_slice %arg6[%mul3A_50, %dma_wait3A] : memref<10000x128xf32, #tpu.memory_space<hbm>> -> memref<40x128xf32, #tpu.memory_space<hbm>>
          %dma_wait3A_55 = arith.constant 0 : i32
          %dma_wait3A_56 = tpu.memref_slice %arg16[%mul3A_50, %dma_wait3A_55] : memref<10000x128xf32, #tpu.memory_space<vmem_shared>> -> memref<40x128xf32, #tpu.memory_space<vmem_shared>>
          tpu.wait_dma2 semaphore(%run_scoped3A : memref<!tpu.dma_semaphore, #tpu.memory_space<semaphore_mem>>) src(%dma_wait3A_56 : memref<40x128xf32, #tpu.memory_space<vmem_shared>>) dst(%dma_wait3A_54 : memref<40x128xf32, #tpu.memory_space<hbm>>)
          tpu.yield
        }) : () -> ()
      }
    } else {
    }
    %eq3A_31 = arith.constant 1 : i32
    %eq3A_32 = arith.cmpi eq, %arg0, %eq3A_31 : i32
    %convert_element_type3A_33 = arith.extui %eq3A_32 : i1 to i32
    %cond3A_34 = arith.constant 0 : i32
    %cond3A_35 = arith.cmpi ne, %convert_element_type3A_33, %cond3A_34 : i32
    scf.if %cond3A_35 {
      %while3A_36 = arith.constant 0 : i32
      %while3A_37 = arith.constant 0 : i32
      %while3A_38 = arith.subi %add3A_8, %while3A_37 : i32
      %while3A_39 = arith.addi %while3A_37, %while3A_38 : i32
      %while3A_40 = arith.constant 1 : i32
      %while3A_41 = arith.divsi %while3A_38, %while3A_40 : i32
      %while3A_42 = arith.muli %while3A_41, %while3A_40 : i32
      %while3A_43 = arith.addi %while3A_37, %while3A_42 : i32
      %while3A_44 = arith.constant 1 : i32
      scf.for %while3A_46 = %while3A_37 to %while3A_43 step %while3A_44  : i32 {
        %mul3A = arith.constant 16 : i32
        %mul3A_47 = arith.muli %mul3A, %while3A_46 : i32
        %add3A_48 = arith.addi %arg1, %mul3A_47 : i32
        %mul3A_49 = arith.constant 40 : i32
        %mul3A_50 = arith.muli %add3A_48, %mul3A_49 : i32
        "tpu.region"() ({
          %run_scoped3A = tpu.sem_alloc : memref<!tpu.dma_semaphore, #tpu.memory_space<semaphore_mem>>
          %dma_start3A = arith.constant 0 : i32
          %dma_start3A_51 = tpu.memref_slice %arg7[%mul3A_50, %dma_start3A] : memref<10000x128xf32, #tpu.memory_space<hbm>> -> memref<40x128xf32, #tpu.memory_space<hbm>>
          %dma_start3A_52 = arith.constant 0 : i32
          %dma_start3A_53 = tpu.memref_slice %arg16[%mul3A_50, %dma_start3A_52] : memref<10000x128xf32, #tpu.memory_space<vmem_shared>> -> memref<40x128xf32, #tpu.memory_space<vmem_shared>>
          tpu.enqueue_dma source(%dma_start3A_53 : memref<40x128xf32, #tpu.memory_space<vmem_shared>>) target(%dma_start3A_51 : memref<40x128xf32, #tpu.memory_space<hbm>>) target_semaphore(%run_scoped3A : memref<!tpu.dma_semaphore, #tpu.memory_space<semaphore_mem>>)
          %dma_wait3A = arith.constant 0 : i32
          %dma_wait3A_54 = tpu.memref_slice %arg7[%mul3A_50, %dma_wait3A] : memref<10000x128xf32, #tpu.memory_space<hbm>> -> memref<40x128xf32, #tpu.memory_space<hbm>>
          %dma_wait3A_55 = arith.constant 0 : i32
          %dma_wait3A_56 = tpu.memref_slice %arg16[%mul3A_50, %dma_wait3A_55] : memref<10000x128xf32, #tpu.memory_space<vmem_shared>> -> memref<40x128xf32, #tpu.memory_space<vmem_shared>>
          tpu.wait_dma2 semaphore(%run_scoped3A : memref<!tpu.dma_semaphore, #tpu.memory_space<semaphore_mem>>) src(%dma_wait3A_56 : memref<40x128xf32, #tpu.memory_space<vmem_shared>>) dst(%dma_wait3A_54 : memref<40x128xf32, #tpu.memory_space<hbm>>)
          tpu.yield
        }) : () -> ()
      }
      %while3A_45 = arith.constant 1 : i32
      scf.for %while3A_46 = %while3A_43 to %while3A_39 step %while3A_45  : i32 {
        %mul3A = arith.constant 16 : i32
        %mul3A_47 = arith.muli %mul3A, %while3A_46 : i32
        %add3A_48 = arith.addi %arg1, %mul3A_47 : i32
        %mul3A_49 = arith.constant 40 : i32
        %mul3A_50 = arith.muli %add3A_48, %mul3A_49 : i32
        "tpu.region"() ({
          %run_scoped3A = tpu.sem_alloc : memref<!tpu.dma_semaphore, #tpu.memory_space<semaphore_mem>>
          %dma_start3A = arith.constant 0 : i32
          %dma_start3A_51 = tpu.memref_slice %arg7[%mul3A_50, %dma_start3A] : memref<10000x128xf32, #tpu.memory_space<hbm>> -> memref<40x128xf32, #tpu.memory_space<hbm>>
          %dma_start3A_52 = arith.constant 0 : i32
          %dma_start3A_53 = tpu.memref_slice %arg16[%mul3A_50, %dma_start3A_52] : memref<10000x128xf32, #tpu.memory_space<vmem_shared>> -> memref<40x128xf32, #tpu.memory_space<vmem_shared>>
          tpu.enqueue_dma source(%dma_start3A_53 : memref<40x128xf32, #tpu.memory_space<vmem_shared>>) target(%dma_start3A_51 : memref<40x128xf32, #tpu.memory_space<hbm>>) target_semaphore(%run_scoped3A : memref<!tpu.dma_semaphore, #tpu.memory_space<semaphore_mem>>)
          %dma_wait3A = arith.constant 0 : i32
          %dma_wait3A_54 = tpu.memref_slice %arg7[%mul3A_50, %dma_wait3A] : memref<10000x128xf32, #tpu.memory_space<hbm>> -> memref<40x128xf32, #tpu.memory_space<hbm>>
          %dma_wait3A_55 = arith.constant 0 : i32
          %dma_wait3A_56 = tpu.memref_slice %arg16[%mul3A_50, %dma_wait3A_55] : memref<10000x128xf32, #tpu.memory_space<vmem_shared>> -> memref<40x128xf32, #tpu.memory_space<vmem_shared>>
          tpu.wait_dma2 semaphore(%run_scoped3A : memref<!tpu.dma_semaphore, #tpu.memory_space<semaphore_mem>>) src(%dma_wait3A_56 : memref<40x128xf32, #tpu.memory_space<vmem_shared>>) dst(%dma_wait3A_54 : memref<40x128xf32, #tpu.memory_space<hbm>>)
          tpu.yield
        }) : () -> ()
      }
    } else {
    }
    return
  }
}

module attributes {stable_mosaic.version = 14 : i64} {
  func.func @_tc_body(%arg0: i32, %arg1: memref<2000x128xf32, #tpu.memory_space<vmem>>, %arg2: memref<2000x128xf32, #tpu.memory_space<vmem>>, %arg3: memref<2000x128xf32, #tpu.memory_space<vmem>>, %arg4: memref<128x128xf32, #tpu.memory_space<vmem>>, %arg5: memref<128x128xf32, #tpu.memory_space<vmem>>, %arg6: memref<1x128xf32, #tpu.memory_space<vmem>>, %arg7: memref<128x384xf32, #tpu.memory_space<vmem>>, %arg8: memref<128x384xf32, #tpu.memory_space<vmem>>, %arg9: memref<1x384xf32, #tpu.memory_space<vmem>>, %arg10: memref<2000x128xf32, #tpu.memory_space<vmem>>, %arg11: memref<2000x128xf32, #tpu.memory_space<vmem>>) attributes {dimension_semantics = [#tpu.dimension_semantics<arbitrary>], iteration_bounds = array<i64: 5>, scalar_prefetch = 0 : i64, scratch_operands = 0 : i64, tpu.core_type = #tpu.core_type<tc>, window_params = [{transform_indices = @transform_0, window_bounds = array<i64: 2000, 128>}, {transform_indices = @transform_1, window_bounds = array<i64: 2000, 128>}, {transform_indices = @transform_2, window_bounds = array<i64: 2000, 128>}, {pipeline_mode = #tpu.pipeline_mode<synchronous>, transform_indices = @transform_3, window_bounds = array<i64: 128, 128>}, {pipeline_mode = #tpu.pipeline_mode<synchronous>, transform_indices = @transform_4, window_bounds = array<i64: 128, 128>}, {pipeline_mode = #tpu.pipeline_mode<synchronous>, transform_indices = @transform_5, window_bounds = array<i64: 1, 128>}, {pipeline_mode = #tpu.pipeline_mode<synchronous>, transform_indices = @transform_6, window_bounds = array<i64: 128, 384>}, {pipeline_mode = #tpu.pipeline_mode<synchronous>, transform_indices = @transform_7, window_bounds = array<i64: 128, 384>}, {pipeline_mode = #tpu.pipeline_mode<synchronous>, transform_indices = @transform_8, window_bounds = array<i64: 1, 384>}, {transform_indices = @transform_9, window_bounds = array<i64: 2000, 128>}, {transform_indices = @transform_10, window_bounds = array<i64: 2000, 128>}]} {
    %get3A = arith.constant 0 : index
    %get3A_0 = arith.constant 0 : index
    %get3A_1 = vector.load %arg1[%get3A, %get3A_0] : memref<2000x128xf32, #tpu.memory_space<vmem>>, vector<2000x128xf32>
    %get3A_2 = arith.constant 0 : index
    %get3A_3 = arith.constant 0 : index
    %get3A_4 = vector.load %arg2[%get3A_2, %get3A_3] : memref<2000x128xf32, #tpu.memory_space<vmem>>, vector<2000x128xf32>
    %get3A_5 = arith.constant 0 : index
    %get3A_6 = arith.constant 0 : index
    %get3A_7 = vector.load %arg3[%get3A_5, %get3A_6] : memref<2000x128xf32, #tpu.memory_space<vmem>>, vector<2000x128xf32>
    %get3A_8 = arith.constant 0 : index
    %get3A_9 = arith.constant 0 : index
    %get3A_10 = vector.load %arg4[%get3A_8, %get3A_9] : memref<128x128xf32, #tpu.memory_space<vmem>>, vector<128x128xf32>
    %dot_general3A = arith.constant dense<0.000000e+00> : vector<2000x128xf32>
    %dot_general3A_11 = tpu.matmul %get3A_1, %get3A_10, %dot_general3A {dimension_numbers = #tpu.dot_dimension_numbers<[1], [0], [0], [1], [0, 0, 1, 1], [], []>, transpose_lhs_hint = false} : vector<2000x128xf32>, vector<128x128xf32>, vector<2000x128xf32> -> vector<2000x128xf32>
    %get3A_12 = arith.constant 0 : index
    %get3A_13 = arith.constant 0 : index
    %get3A_14 = vector.load %arg5[%get3A_12, %get3A_13] : memref<128x128xf32, #tpu.memory_space<vmem>>, vector<128x128xf32>
    %dot_general3A_15 = arith.constant dense<0.000000e+00> : vector<2000x128xf32>
    %dot_general3A_16 = tpu.matmul %get3A_4, %get3A_14, %dot_general3A_15 {dimension_numbers = #tpu.dot_dimension_numbers<[1], [0], [0], [1], [0, 0, 1, 1], [], []>, transpose_lhs_hint = false} : vector<2000x128xf32>, vector<128x128xf32>, vector<2000x128xf32> -> vector<2000x128xf32>
    %add3A = arith.addf %dot_general3A_11, %dot_general3A_16 : vector<2000x128xf32>
    %get3A_17 = arith.constant 0 : index
    %get3A_18 = arith.constant 0 : index
    %get3A_19 = vector.load %arg6[%get3A_17, %get3A_18] : memref<1x128xf32, #tpu.memory_space<vmem>>, vector<1x128xf32>
    %add3A_20 = vector.broadcast %get3A_19 : vector<1x128xf32> to vector<2000x128xf32>
    %add3A_21 = arith.addf %add3A, %add3A_20 : vector<2000x128xf32>
    %logistic3A = arith.negf %add3A_21 : vector<2000x128xf32>
    %logistic3A_22 = math.exp %logistic3A : vector<2000x128xf32>
    %logistic3A_23 = arith.constant 1.000000e+00 : f32
    %logistic3A_24 = vector.broadcast %logistic3A_23 : f32 to vector<2000x128xf32>
    %logistic3A_25 = arith.addf %logistic3A_24, %logistic3A_22 : vector<2000x128xf32>
    %logistic3A_26 = arith.divf %logistic3A_24, %logistic3A_25 : vector<2000x128xf32>
    %get3A_27 = arith.constant 0 : index
    %get3A_28 = arith.constant 0 : index
    %get3A_29 = vector.load %arg7[%get3A_27, %get3A_28] : memref<128x384xf32, #tpu.memory_space<vmem>>, vector<128x384xf32>
    %dot_general3A_30 = arith.constant dense<0.000000e+00> : vector<2000x384xf32>
    %dot_general3A_31 = tpu.matmul %get3A_1, %get3A_29, %dot_general3A_30 {dimension_numbers = #tpu.dot_dimension_numbers<[1], [0], [0], [1], [0, 0, 1, 1], [], []>, transpose_lhs_hint = false} : vector<2000x128xf32>, vector<128x384xf32>, vector<2000x384xf32> -> vector<2000x384xf32>
    %get3A_32 = arith.constant 0 : index
    %get3A_33 = arith.constant 0 : index
    %get3A_34 = vector.load %arg8[%get3A_32, %get3A_33] : memref<128x384xf32, #tpu.memory_space<vmem>>, vector<128x384xf32>
    %dot_general3A_35 = arith.constant dense<0.000000e+00> : vector<2000x384xf32>
    %dot_general3A_36 = tpu.matmul %get3A_4, %get3A_34, %dot_general3A_35 {dimension_numbers = #tpu.dot_dimension_numbers<[1], [0], [0], [1], [0, 0, 1, 1], [], []>, transpose_lhs_hint = false} : vector<2000x128xf32>, vector<128x384xf32>, vector<2000x384xf32> -> vector<2000x384xf32>
    %add3A_37 = arith.addf %dot_general3A_31, %dot_general3A_36 : vector<2000x384xf32>
    %get3A_38 = arith.constant 0 : index
    %get3A_39 = arith.constant 0 : index
    %get3A_40 = vector.load %arg9[%get3A_38, %get3A_39] : memref<1x384xf32, #tpu.memory_space<vmem>>, vector<1x384xf32>
    %add3A_41 = vector.broadcast %get3A_40 : vector<1x384xf32> to vector<2000x384xf32>
    %add3A_42 = arith.addf %add3A_37, %add3A_41 : vector<2000x384xf32>
    %slice3A = vector.extract_strided_slice %add3A_42 {offsets = [0, 0], sizes = [2000, 128], strides = [1, 1]} : vector<2000x384xf32> to vector<2000x128xf32>
    %logistic3A_43 = arith.negf %slice3A : vector<2000x128xf32>
    %logistic3A_44 = math.exp %logistic3A_43 : vector<2000x128xf32>
    %logistic3A_45 = arith.constant 1.000000e+00 : f32
    %logistic3A_46 = vector.broadcast %logistic3A_45 : f32 to vector<2000x128xf32>
    %logistic3A_47 = arith.addf %logistic3A_46, %logistic3A_44 : vector<2000x128xf32>
    %logistic3A_48 = arith.divf %logistic3A_46, %logistic3A_47 : vector<2000x128xf32>
    %slice3A_49 = vector.extract_strided_slice %add3A_42 {offsets = [0, 128], sizes = [2000, 128], strides = [1, 1]} : vector<2000x384xf32> to vector<2000x128xf32>
    %logistic3A_50 = arith.negf %slice3A_49 : vector<2000x128xf32>
    %logistic3A_51 = math.exp %logistic3A_50 : vector<2000x128xf32>
    %logistic3A_52 = arith.constant 1.000000e+00 : f32
    %logistic3A_53 = vector.broadcast %logistic3A_52 : f32 to vector<2000x128xf32>
    %logistic3A_54 = arith.addf %logistic3A_53, %logistic3A_51 : vector<2000x128xf32>
    %logistic3A_55 = arith.divf %logistic3A_53, %logistic3A_54 : vector<2000x128xf32>
    %slice3A_56 = vector.extract_strided_slice %add3A_42 {offsets = [0, 256], sizes = [2000, 128], strides = [1, 1]} : vector<2000x384xf32> to vector<2000x128xf32>
    %tanh3A = math.tanh %slice3A_56 : vector<2000x128xf32>
    %mul3A = arith.mulf %logistic3A_48, %tanh3A : vector<2000x128xf32>
    %mul3A_57 = arith.mulf %logistic3A_26, %get3A_7 : vector<2000x128xf32>
    %add3A_58 = arith.addf %mul3A, %mul3A_57 : vector<2000x128xf32>
    %swap3A = arith.constant 0 : index
    %swap3A_59 = arith.constant 0 : index
    %swap3A_60 = vector.load %arg11[%swap3A, %swap3A_59] : memref<2000x128xf32, #tpu.memory_space<vmem>>, vector<2000x128xf32>
    tpu.vector_store %arg11[%swap3A, %swap3A_59], %add3A_58 {strides = array<i32>} : memref<2000x128xf32, #tpu.memory_space<vmem>>, vector<2000x128xf32>,
    %tanh3A_61 = math.tanh %add3A_58 : vector<2000x128xf32>
    %mul3A_62 = arith.mulf %logistic3A_55, %tanh3A_61 : vector<2000x128xf32>
    %swap3A_63 = arith.constant 0 : index
    %swap3A_64 = arith.constant 0 : index
    %swap3A_65 = vector.load %arg10[%swap3A_63, %swap3A_64] : memref<2000x128xf32, #tpu.memory_space<vmem>>, vector<2000x128xf32>
    tpu.vector_store %arg10[%swap3A_63, %swap3A_64], %mul3A_62 {strides = array<i32>} : memref<2000x128xf32, #tpu.memory_space<vmem>>, vector<2000x128xf32>,
    return
  }
  func.func @transform_0(%arg0: i32) -> (i32, i32) {
    %c0_i32 = arith.constant 0 : i32
    %c0_i32_0 = arith.constant 0 : i32
    return %arg0, %c0_i32 : i32, i32
  }
  func.func @transform_1(%arg0: i32) -> (i32, i32) {
    %c0_i32 = arith.constant 0 : i32
    %c0_i32_0 = arith.constant 0 : i32
    return %arg0, %c0_i32 : i32, i32
  }
  func.func @transform_2(%arg0: i32) -> (i32, i32) {
    %c0_i32 = arith.constant 0 : i32
    %c0_i32_0 = arith.constant 0 : i32
    return %arg0, %c0_i32 : i32, i32
  }
  func.func @transform_3(%arg0: i32) -> (i32, i32) {
    %c0_i32 = arith.constant 0 : i32
    %c0_i32_0 = arith.constant 0 : i32
    %c0_i32_1 = arith.constant 0 : i32
    return %c0_i32, %c0_i32_0 : i32, i32
  }
  func.func @transform_4(%arg0: i32) -> (i32, i32) {
    %c0_i32 = arith.constant 0 : i32
    %c0_i32_0 = arith.constant 0 : i32
    %c0_i32_1 = arith.constant 0 : i32
    return %c0_i32, %c0_i32_0 : i32, i32
  }
  func.func @transform_5(%arg0: i32) -> (i32, i32) {
    %c0_i32 = arith.constant 0 : i32
    %c0_i32_0 = arith.constant 0 : i32
    %c0_i32_1 = arith.constant 0 : i32
    return %c0_i32, %c0_i32_0 : i32, i32
  }
  func.func @transform_6(%arg0: i32) -> (i32, i32) {
    %c0_i32 = arith.constant 0 : i32
    %c0_i32_0 = arith.constant 0 : i32
    %c0_i32_1 = arith.constant 0 : i32
    return %c0_i32, %c0_i32_0 : i32, i32
  }
  func.func @transform_7(%arg0: i32) -> (i32, i32) {
    %c0_i32 = arith.constant 0 : i32
    %c0_i32_0 = arith.constant 0 : i32
    %c0_i32_1 = arith.constant 0 : i32
    return %c0_i32, %c0_i32_0 : i32, i32
  }
  func.func @transform_8(%arg0: i32) -> (i32, i32) {
    %c0_i32 = arith.constant 0 : i32
    %c0_i32_0 = arith.constant 0 : i32
    %c0_i32_1 = arith.constant 0 : i32
    return %c0_i32, %c0_i32_0 : i32, i32
  }
  func.func @transform_9(%arg0: i32) -> (i32, i32) {
    %c0_i32 = arith.constant 0 : i32
    %c0_i32_0 = arith.constant 0 : i32
    return %arg0, %c0_i32 : i32, i32
  }
  func.func @transform_10(%arg0: i32) -> (i32, i32) {
    %c0_i32 = arith.constant 0 : i32
    %c0_i32_0 = arith.constant 0 : i32
    return %arg0, %c0_i32 : i32, i32
  }
}

</mosaic_0001>

<sc_bundles>
// kernel: kernel.4.cloned.1.call-start
scs
__scs_entry_jumppad:
0x0: {  	(pc) =	sbr.rel $0x88, $3  }
0x1: {  	(tag) =	ssettag $0x0;
	lr =	simm.s32 $0x1  }
0x2: {  	[smem:$0x3F97] =	sst lr;
	_ =	strace $0xD0000000  }
0x3: {  	_ = 	snop  }
0x4: {  	_ = 	snop  }
0x5: {  	_ = 	snop  }
0x6: {  	_ = 	snop  }
0x7: {  	_ = 	snop  }
__scs_overlays_trampoline_lowered:
0x8: {  	[smem:$0x3FA6] =	sst s0  }
0x9: {  	[smem:$0x3FA7] =	sst s1  }
0xa: {  	[smem:$0x3FA8] =	sst s2  }
0xb: {  	[smem:$0x3FA9] =	sst s3  }
0xc: {  	[smem:$0x3FAA] =	sst s4  }
0xd: {  	[smem:$0x3FAB] =	sst s5  }
0xe: {  	[smem:$0x3FAC] =	sst s6  }
0xf: {  	[smem:$0x3FAD] =	sst s7  }
0x10: {  	[smem:$0x3FAE] =	sst s8  }
0x11: {  	[smem:$0x3FAF] =	sst s9;
	s0 =	simm.s32 @!p0 $0x0  }
0x12: {  	s1 =	sld [smem:$0x3F95];
	s0 =	simm.s32 @p0 $0x1  }
0x13: {  	[smem:$0x3FB0] =	sst s0;
	s0 =	simm.s32 @!p1 $0x0  }
0x14: {  	s2 =	sld [smem:$0x3F94];
	s0 =	simm.s32 @p1 $0x1  }
0x15: {  	[smem:$0x3FB1] =	sst s0;
	s0 =	simm.s32 @!p2 $0x0  }
0x16: {  	s3 =	sld [smem:$0x3FDB];
	s0 =	simm.s32 @p2 $0x1  }
0x17: {  	s4 =	simm.s32 $0x1BF5;
	[smem:$0x3FB3] =	sst s0  }
0x18: {  	s0 =	sld [smem:$0x3F96];
	_ =	swait.ge [sflag:s4], $0x0  }
0x19: {  	s7 =	sld [smem:$0x3F97]  }
0x1a: {  	s8 =	sadd.s32 $0xFFFFE003, lr  }
0x1b: {  	s9 =	sadd.s32 $0xFFFFFEF7, lr;
	s5 =	simm.s32 $0xFFFFFFFF;
	p2 =	slt.u32 s8, $0xFFFFF086  }
0x1c: {  	p1 =	slt.u32 s9, $0xF7A;
	s5 =	simm.s32 @!p2 $0x0  }
0x1d: {  	s5 =	simm.s32 @p1 $0x1;
	p0 =	seq.s32 s7, s2  }
0x1e: {  	s7 =	smul.u32 @!p0 $0xF7A, s2;
	p2 =	seq.s32 @!p0 s5, $0x0  }
0x1f: {  	s9 =	smul.u32 $0xF7A, s1;
	s8 =	simm.s32 @!p0 $0x1BF5;
	p2 =	por !p2, p0  }
0x20: {  	[sflag:s8] =	ssyncset.s32 @!p0 $0xFFFFF086;
	s6 =	sadd.s32 @!p0 s3, s7;
	s7 =	simm.s32 @!p0 $0x108  }
0x21: {  	s3 =	sadd.s32 s3, s9;
	s6 =	sadd.s32 @!p0 $0x88, s6;
	s7 =	simm.s32 @p2 $0x1082  }
0x22: {  	[simem:s7], [sflag:s8] =	dma.local @!p0 [hbm:s6], $0xF7A  }
0x23: {  	s9 =	sor.u32 $0xD0000000, s2;
	s6 =	simm.s32 $0x108;
	_ =	swait.ge @!p0 [sflag:s8], $0x0  }
0x24: {  	s3 =	sadd.s32 $0x88, s3;
	s6 =	simm.s32 @!p1 $0x1082;
	[sflag:s4] =	ssyncset.s32 $0xFFFFF086  }
0x25: {  	[simem:s6], [sflag:s4] =	dma.local [hbm:s3], $0xF7A  }
0x26: {  	[smem:$0x3F97] =	sst s1;
	(tag) =	ssettag s2;
	_ =	strace s9  }
0x27: {  	s1 =	sld [smem:$0x3FA7]  }
0x28: {  	s2 =	sld [smem:$0x3FA8]  }
0x29: {  	s4 =	sld [smem:$0x3FAA]  }
0x2a: {  	p0 =	seq.s32 s5, $0x0;
	s5 =	sld [smem:$0x3FAB]  }
0x2b: {  	s6 =	sld [smem:$0x3FAC]  }
0x2c: {  	s7 =	sld [smem:$0x3FAD]  }
0x2d: {  	s3 =	simm.s32 $0x108;
	s8 =	sld [smem:$0x3FAE]  }
0x2e: {  	s3 =	simm.s32 @!p0 $0x1082;
	s9 =	sld [smem:$0x3FAF]  }
0x2f: {  	lr =	sadd.s32 s0, s3;
	s0 =	sld [smem:$0x3FA6]  }
0x30: {  	s3 =	sld [smem:$0x3FA9]  }
0x31: {  	[smem:$0x3FB2] =	sst s10  }
0x32: {  	s10 =	sld [smem:$0x3FB0];
	_ =	sdelay $0x3  }
0x33: {  	p0 =	seq.s32 s10, $0x1;
	s10 =	sld [smem:$0x3FB2];
	_ =	sdelay $0x3  }
0x34: {  	[smem:$0x3FB2] =	sst s10  }
0x35: {  	s10 =	sld [smem:$0x3FB1];
	_ =	sdelay $0x3  }
0x36: {  	p1 =	seq.s32 s10, $0x1;
	s10 =	sld [smem:$0x3FB2];
	_ =	sdelay $0x3  }
0x37: {  	[smem:$0x3FB2] =	sst s10  }
0x38: {  	s10 =	sld [smem:$0x3FB3]  }
0x39: {  	_ = 	snop;
	(pc) =	sbr.ind lr, $3  }
0x3a: {  	_ = 	snop  }
0x3b: {  	_ = 	snop  }
0x3c: {  	p2 =	seq.s32 s10, $0x1;
	s10 =	sld [smem:$0x3FB2]  }
0x3d: {  	_ =	shalt  }
0x3e: {  	_ =	shalt  }
0x3f: {  	_ =	shalt  }
0x40: {  	_ =	shalt  }
0x41: {  	_ =	shalt  }
0x42: {  	_ =	shalt  }
0x43: {  	_ =	shalt  }
0x44: {  	_ =	shalt  }
0x45: {  	_ =	shalt  }
0x46: {  	_ =	shalt  }
0x47: {  	_ =	shalt  }
0x48: {  	_ =	shalt  }
0x49: {  	_ =	shalt  }
0x4a: {  	_ =	shalt  }
0x4b: {  	_ =	shalt  }
0x4c: {  	_ =	shalt  }
0x4d: {  	_ =	shalt  }
0x4e: {  	_ =	shalt  }
0x4f: {  	_ =	shalt  }
0x50: {  	_ =	shalt  }
0x51: {  	_ =	shalt  }
0x52: {  	_ =	shalt  }
0x53: {  	_ =	shalt  }
0x54: {  	_ =	shalt  }
0x55: {  	_ =	shalt  }
0x56: {  	_ =	shalt  }
0x57: {  	_ =	shalt  }
0x58: {  	_ =	shalt  }
0x59: {  	_ =	shalt  }
0x5a: {  	_ =	shalt  }
0x5b: {  	_ =	shalt  }
0x5c: {  	_ =	shalt  }
0x5d: {  	_ =	shalt  }
0x5e: {  	_ =	shalt  }
0x5f: {  	_ =	shalt  }
0x60: {  	_ =	shalt  }
0x61: {  	_ =	shalt  }
0x62: {  	_ =	shalt  }
0x63: {  	_ =	shalt  }
0x64: {  	_ =	shalt  }
0x65: {  	_ =	shalt  }
0x66: {  	_ =	shalt  }
0x67: {  	_ =	shalt  }
0x68: {  	_ =	shalt  }
0x69: {  	_ =	shalt  }
0x6a: {  	_ =	shalt  }
0x6b: {  	_ =	shalt  }
0x6c: {  	_ =	shalt  }
0x6d: {  	_ =	shalt  }
0x6e: {  	_ =	shalt  }
0x6f: {  	_ =	shalt  }
0x70: {  	_ =	shalt  }
0x71: {  	_ =	shalt  }
0x72: {  	_ =	shalt  }
0x73: {  	_ =	shalt  }
0x74: {  	_ =	shalt  }
0x75: {  	_ =	shalt  }
0x76: {  	_ =	shalt  }
0x77: {  	_ =	shalt  }
0x78: {  	_ =	shalt  }
0x79: {  	_ =	shalt  }
0x7a: {  	_ =	shalt  }
0x7b: {  	_ =	shalt  }
0x7c: {  	_ =	shalt  }
0x7d: {  	_ =	shalt  }
0x7e: {  	_ =	shalt  }
0x7f: {  	_ =	shalt  }
0x80: {  	_ =	shalt  }
0x81: {  	_ =	shalt  }
0x82: {  	_ =	shalt  }
0x83: {  	_ =	shalt  }
0x84: {  	_ =	shalt  }
0x85: {  	_ =	shalt  }
0x86: {  	_ =	shalt  }
0x87: {  	_ =	shalt  }
.Lfunc_end0:
.L_simem_size_0:
called_computation_lowered:
.L_overlay_start_0:
0x88: {  	s2 =	sld [smem:$0x3FD9]  }
0x89: {  	s3 =	sld [smem:$0x3FFE];
	_ =	sdelay $0x1  }
0x8a: {  	s1 =	srdreg.scid  }
0x8b: {  	s0 =	sand.u32 $0x1, s1  }
0x8c: {  	s14 =	sshll.u32 s0, $0xA;
	s2 =	sadd.s32 s3, s2  }
0x8d: {  	s2 =	sadd.s32 s2, s14  }
0x8e: {  	[smem:$0x3FBE] =	sst s2  }
0x8f: {  	_ = 	snop  }
0x90: {  	s2 =	sld [smem:$0x3FD0];
	_ =	sdelay $0x1  }
0x91: {  	s15 =	sld [smem:$0x3FC8]  }
0x92: {  	s5 =	simm.s32 $0xA;
	s6 =	simm.s32 $0x10;
	s4 =	sld [smem:$0x3FC7]  }
0x93: {  	[smem:s6], [sflag:s5] =	dma.local [hbm:s2], $0x1  }
0x94: {  	_ =	swait.eq [sflag:s5], $0x1  }
0x95: {  	[sflag:s5] =	ssyncset.done $0x0  }
0x96: {  	s16 =	sld [smem:$0x10];
	[sflag:s5] =	ssyncadd.s32 $0xFFFFFFFF  }
0x97: {  	s17 =	sld [smem:$0x11];
	(tm) =	ssettm $0x1  }
0x98: {  	s18 =	sld [smem:$0x3FFB];
	_ =	sdelay $0x3  }
0x99: {  	_ =	strace s18  }
0x9a: {  	s6 =	sld [smem:$0x3FFC];
	_ =	sdelay $0x3  }
0x9b: {  	_ =	strace s6  }
0x9c: {  	s6 =	sld [smem:$0x3FFD];
	_ =	sdelay $0x3  }
0x9d: {  	_ =	strace s6  }
0x9e: {  	_ =	strace $0x8FFFFFFF  }
0x9f: {  	s19 =	sld [smem:$0x3FDB];
	_ =	sdelay $0x1  }
0xa0: {  	s7 =	simm.s32 $_scs_section_size  }
0xa1: {  	s8 =	simm.s32 $_size__tile_overlayer_lowered;
	s9 =	simm.s32 $_tile_overlayer_lowered  }
0xa2: {  	s22 =	simm.s32 $0x1BFF;
	s21 =	sshll.u32 s9, $0x1;
	s6 =	sadd.s32 s7, s19  }
0xa3: {  	s10 =	simm.s32 $0x0;
	s20 =	sshll.u32 s8, $0x1;
	s8 =	sadd.s32 s21, s6  }
0xa4: {  	[timem:s10], [sflag:s22] =	dma.local [hbm:s8], s20  }
0xa5: {  	_ =	swait.ge [sflag:s22], s20  }
0xa6: {  	s7 =	ssub.s32 $0x0, s20;
	[sflag:s22] =	ssyncset.done $0x0  }
0xa7: {  	[sflag:s22] =	ssyncadd.s32 s7;
	_ =	sdelay $0x1  }
0xa8: {  	s23 =	simm.s32 $0x1B8B  }
0xa9: {  	_ =	swait.ge [sflag:s23], $0x1  }
0xaa: {  	[sflag:s23] =	ssyncset.done $0x0  }
0xab: {  	s25 =	simm.s32 $0x1B8E;
	s24 =	sld [smem:$0x3FFE];
	[sflag:s23] =	ssyncadd.s32 $0xFFFFFFFF  }
0xac: {  	s26 =	simm.s32 $execute0_lowered;
	[smem:$0x3FD2] =	sst s25  }
0xad: {  	s8 =	sshll.u32 s26, $0x1;
	_ =	strace $0x80000046;
	[dreg:$0x1] =	wrdreg $0xFFFFFFFF  }
0xae: {  	s28 =	simm.s32 $_size_execute0_lowered;
	s6 =	sadd.s32 s6, s8;
	[dreg:$0x0] =	wrdreg $0x0  }
0xaf: {  	s8 =	sshll.u32 s28, $0x1;
	[dreg:$0x2] =	wrdreg s6  }
0xb0: {  	[dreg:$0x3] =	wrdreg s8  }
0xb1: {  	[dreg:$0x4] =	wrdreg $0xC0  }
0xb2: {  	_ =	task [dreg:s10], $0x5FFFF  }
0xb3: {  	[dreg:$0x1] =	wrdreg $0xFFFFFFFF  }
0xb4: {  	[dreg:$0x0] =	wrdreg $0x60  }
0xb5: {  	[dreg:$0x2] =	wrdreg s24  }
0xb6: {  	[dreg:$0x3] =	wrdreg s15  }
0xb7: {  	[dreg:$0x4] =	wrdreg s4  }
0xb8: {  	[dreg:$0x5] =	wrdreg s17  }
0xb9: {  	[dreg:$0x6] =	wrdreg s16  }
0xba: {  	[dreg:$0x7] =	wrdreg $0xB0000  }
0xbb: {  	[dreg:$0x8] =	wrdreg $0x9  }
0xbc: {  	_ =	task.clear_ibuf [dreg:s10], $0x9FFFF;
	_ =	strace $0x90000046  }
0xbd: {  	s29 =	simm.s32 $0x9;
	_ =	strace $0x80000048  }
0xbe: {  	_ =	swait.ge [sflag:s29], $0x1  }
0xbf: {  	[sflag:s29] =	ssyncadd.s32 $0xFFFFFFFF  }
0xc0: {  	_ =	strace $0x90000048  }
0xc1: {  	_ =	sfence  }
0xc2: {  	s30 =	sld [smem:$0x0];
	_ =	sdelay $0x2  }
0xc3: {  	s31 =	sshll.u32 s1, $0xD;
	s1 =	sshrl.u32 s1, $0x2  }
0xc4: {  	s3 =	sand.u32 $0x4000, s31;
	s1 =	sadd.s32 s1, s30  }
0xc5: {  	s0 =	sor.u32 s3, s0;
	s1 =	sshll.u32 s1, $0x11  }
0xc6: {  	s0 =	sor.u32 s1, s0  }
0xc7: {  	s0 =	sadd.s32 $0x8F2B, s0  }
0xc8: {  	[sflag:s0] =	ssyncadd.remote.s32 $0x1  }
0xc9: {  	_ =	sfence.sel $0xFFFF  }
0xca: {  	[dreg:$0x0] =	wrdreg $0xFFFFFFFF;
	(pc) =	sbr.abs _section_cstart, $3  }
0xcb: {  	[dreg:$0x1] =	wrdreg $0xFFFFFFFF  }
0xcc: {  	_ =	task.clear_ibuf [dreg:s10], $0x2FFFF;
	_ =	strace $0x9FFFFFFF  }
0xcd: {  	(tm) =	ssettm $0x7FFFFFFF  }
tec
execute0_lowered:
.L_overlay_start_1:
0x0: {  	(tag) =	ssettag $0x1  }
0x1: {  	s0 =	rddreg [dreg:$0x0]  }
0x2: {  	s1 =	rddreg [dreg:$0x1]  }
0x3: {  	s2 =	rddreg [dreg:$0x2]  }
0x4: {  	s5 =	rddreg [dreg:$0x3]  }
0x5: {  	s7 =	rddreg [dreg:$0x4]  }
0x6: {  	s3 =	rddreg [dreg:$0x5];
	s4 =	simm.s32 $0x0;
	s6 =	srdreg.scid  }
0x7: {  	s13 =	stileid.u32;
	s15 =	simm.s32 $0x9C00;
	s16 =	simm.s32 $0xD  }
0x8: {  	s28 =	simm.s32 $0x6400;
	s30 =	simm.s32 $0x8000;
	s31 =	simm.s32 $0x1  }
0x9: {  	s17 =	simm.s32 $0x3;
	s29 =	simm.s32 $0x7;
	s11 =	smul.u32 $0x14000, s13  }
0xa: {  	[smem:$0x7FF] =	sst s4;
	s8 =	sand.u32 $0x1, s6;
	s12 =	smul.u32 $0x5000, s13  }
0xb: {  	s9 =	sadd.s32 $0x1800, s0;
	s0 =	sadd.s32 $0x29800, s0;
	s20 =	smul.u32 $0x2800, s13  }
0xc: {  	p0 =	slt.u32 s13, $0xA;
	s23 =	smul.u32 $0x280, s13;
	s6 =	ssub.s32 $0x2, s8  }
0xd: {  	_ =	strace $0x80000047;
	s10 =	sshrl.u32 s6, $0x1;
	s11 =	sshrl.u32 s11, $0x3  }
0xe: {  	s22 =	sshrl.u32 s12, $0x2;
	s25 =	sadd.s32 s23, s7;
	s26 =	sadd.s32 s23, s5  }
0xf: {  	s23 =	simm.s32 $0x2C00;
	s5 =	simm.s32 $0x8;
	s7 =	simm.s32 $0x9  }
0x10: {  	s10 =	ssub.s32 s6, s10;
	s6 =	simm.s32 $0x10;
	s18 =	sadd.s32 s9, s11  }
0x11: {  	s19 =	sadd.s32 s0, s11;
	s0 =	sadd.s32 s20, s0;
	[dreg:$0xe] =	wrdreg s25  }
0x12: {  	s9 =	sadd.s32 s20, s9;
	[dreg:$0xf] =	wrdreg s26;
	s20 =	simm.s32 $0x32  }
0x13: {  	s25 =	simm.s32 $0x4800;
	s26 =	simm.s32 $0x6;
	[dreg:$0x8] =	wrdreg s18  }
0x14: {  	s6 =	simm.s32 @!p0 $0xF;
	[dreg:$0x9] =	wrdreg s19;
	s21 =	smax.u32 s10, $0x1  }
0x15: {  	s10 =	sadd.s32 s22, s3;
	s0 =	sadd.s32 $0x80, s0;
	s24 =	sadd.s32 $0x80, s9  }
.Ltmp0:
0x16: {  	p0 =	sne.s32 s8, $0x0;
	[dreg:$0x7] =	wrdreg s6;
	(pc) =	sbr.rel .LBB2_1-.Ltmp0, $4  }
0x17: {  	s18 =	simm.s32 $0xB;
	s19 =	simm.s32 $0xC;
	[dreg:$0xa] =	wrdreg s21  }
0x18: {  	s22 =	simm.s32 $0x4;
	s8 =	simm.s32 $0xA;
	[dreg:$0xc] =	wrdreg s0  }
0x19: {  	s9 =	simm.s32 $0x0;
	[dreg:$0xd] =	wrdreg s24;
	s21 =	simm.s32 $0x1000  }
0x1a: {  	v0 =	vimm.f32 $0.0e+00;
	s0 =	simm.s32 $0x2;
	s24 =	simm.s32 $0x5;
	[dreg:$0xb] =	wrdreg s10  }
.LBB2_15:
0x1b: {  	[sflag:s16] =	ssyncset.done $0x0  }
0x1c: {  	s9 =	rddreg [dreg:$0x10];
	[sflag:s16] =	ssyncadd.s32 $0xFFFFFD80  }
.LBB2_16:
0x1d: {  	s9 =	sadd.s32 $0x1, s9;
	s6 =	rddreg [dreg:$0xa]  }
0x1e: {  	p1 =	sne.s32 s9, s6  }
.Ltmp1:
0x1f: {  	_ = 	snop;
	(pc) =	sbr.rel @!p1 .LBB2_17-.Ltmp1, $1  }
0x20: {  	_ =	sdelay $0x3  }
.LBB2_1:
0x21: {  	s11 =	simm.s32 $0x0;
	s12 =	simm.s32 $0x200  }
.LBB2_2:
0x22: {  	p1 =	sne.s32 s12, $0x4E00;
	[tilespmem:s11+$0x9C70] =	vst v0  }
0x23: {  	[tilespmem:s11+$0x9C00] =	vst v0  }
0x24: {  	[tilespmem:s11+$0x9C10] =	vst v0  }
.Ltmp2:
0x25: {  	[tilespmem:s11+$0x9C20] =	vst v0;
	(pc) =	sbr.rel @p1 .LBB2_2-.Ltmp2, $4  }
0x26: {  	[tilespmem:s11+$0x9C30] =	vst v0  }
0x27: {  	[tilespmem:s11+$0x9C40] =	vst v0  }
0x28: {  	[tilespmem:s11+$0x9C50] =	vst v0  }
0x29: {  	[tilespmem:s11+$0x9C60] =	vst v0;
	s11 =	sshra.s32 s12, $0x2;
	s12 =	sadd.s32 $0x200, s12  }
0x2a: {  	[tilespmem:s11+$0x9C70] =	vst v0  }
0x2b: {  	[tilespmem:s11+$0x9C00] =	vst v0  }
0x2c: {  	[tilespmem:s11+$0x9C10] =	vst v0  }
0x2d: {  	[tilespmem:s11+$0x9C20] =	vst v0  }
0x2e: {  	[tilespmem:s11+$0x9C30] =	vst v0;
	s6 =	rddreg [dreg:$0x7]  }
0x2f: {  	[tilespmem:s11+$0x9C40] =	vst v0;
	p1 =	sne.s32 s6, $0x1  }
.Ltmp3:
0x30: {  	[tilespmem:s11+$0x9C50] =	vst v0;
	(pc) =	sbr.rel @!p1 .LBB2_5-.Ltmp3, $4  }
0x31: {  	[dreg:$0x10] =	wrdreg s9;
	[tilespmem:s11+$0x9C60] =	vst v0  }
0x32: {  	[spmem:s10] =	stream.linear.scatter [tilespmem:s15], [sflag:$0xD], $0x1400, $0x38;
	[tilespmem:$0x1E880] =	vst v63  }
0x33: {  	_ =	swait.ge [sflag:s16], $0x1400  }
0x34: {  	s12 =	smov.u32 s10;
	s11 =	sadd.s32 $0xFFFFFFFF, s6;
	[sflag:s16] =	ssyncset.done $0x0  }
.LBB2_4:
0x35: {  	p2 =	sne.s32 s11, $0x1;
	[sflag:s16] =	ssyncadd.s32 $0xFFFFEC00;
	s12 =	sadd.s32 $0x14000, s12  }
.Ltmp4:
0x36: {  	s11 =	sadd.s32 $0xFFFFFFFF, s11;
	(pc) =	sbr.rel @p2 .LBB2_4-.Ltmp4, $4  }
0x37: {  	_ = 	snop  }
0x38: {  	[spmem:s12] =	stream.linear.scatter [tilespmem:s15], [sflag:$0xD], $0x1400, $0x38;
	[tilespmem:$0x1E880] =	vst v63  }
0x39: {  	_ =	swait.ge [sflag:s16], $0x1400  }
0x3a: {  	[sflag:s16] =	ssyncset.done $0x0  }
.LBB2_5:
0x3b: {  	[sflag:s16] =	ssyncadd.s32 $0xFFFFEC00  }
0x3c: {  	[bflag:$0x0] =	sbarrier.arrive $0xFFFF  }
0x3d: {  	s6 =	rddreg [dreg:$0x8]  }
0x3e: {  	[tilespmem:s4], [sflag:$0xB] =	stream.linear.gather [hbm4b:s6+s4], $0x280, $0x38;
	[tilespmem:$0x1E880] =	vst v63  }
0x3f: {  	s9 =	simm.s32 $0x800;
	s14 =	rddreg [dreg:$0x9]  }
0x40: {  	[tilespmem:s9], [sflag:$0xC] =	stream.linear.gather [hbm4b:s14+s4], $0x280, $0x38;
	[tilespmem:$0x1E880] =	vst v63  }
0x41: {  	_ =	swait.ge [sflag:s18], $0x280  }
.Ltmp5:
0x42: {  	[sflag:s18] =	ssyncset.done $0x0;
	(pc) =	sbr.rel @p0 .LBB2_11-.Ltmp5, $4  }
0x43: {  	[sflag:s18] =	ssyncadd.s32 $0xFFFFFD80  }
0x44: {  	_ =	swait.ge [sflag:s19], $0x280  }
0x45: {  	[sflag:s19] =	ssyncset.done $0x0  }
0x46: {  	[sflag:s19] =	ssyncadd.s32 $0xFFFFFD80  }
0x47: {  	[tilespmem:s21], [sflag:$0x1] =	stream.indirect.gather [hbm4b:s1+s20], $0x80, s4, s20, $0xb8;
	[tilespmem:$0x1E880] =	vst v63  }
0x48: {  	s6 =	simm.s32 $0x80  }
0x49: {  	[tilespmem:s23], [sflag:$0x2] =	stream.indirect.gather [hbm4b:s1+s20], $0x80, s6, s20, $0xb8;
	[tilespmem:$0x1E880] =	vst v63  }
0x4a: {  	s10 =	simm.s32 $0x100  }
0x4b: {  	[tilespmem:s25], [sflag:$0x3] =	stream.indirect.gather [hbm4b:s1+s20], $0x80, s10, s20, $0xb8;
	[tilespmem:$0x1E880] =	vst v63  }
0x4c: {  	s11 =	simm.s32 $0x180  }
0x4d: {  	[tilespmem:s28], [sflag:$0x4] =	stream.indirect.gather [hbm4b:s1+s20], $0x80, s11, s20, $0xb8;
	[tilespmem:$0x1E880] =	vst v63  }
0x4e: {  	s12 =	simm.s32 $0x200;
	s11 =	simm.s32 $0x400  }
0x4f: {  	[tilespmem:s30], [sflag:$0x5] =	stream.indirect.gather [hbm4b:s1+s20], $0x80, s12, s20, $0xb8;
	[tilespmem:$0x1E880] =	vst v63  }
0x50: {  	s9 =	rddreg [dreg:$0xd];
	s11 =	sand.u32 $0x400, s11  }
0x51: {  	[tilespmem:s11], [sflag:$0xB] =	stream.linear.gather [hbm4b:s9+s4], $0x280, $0x38;
	[tilespmem:$0x1E880] =	vst v63  }
0x52: {  	s6 =	rddreg [dreg:$0xc];
	s12 =	sor.u32 $0x800, s11  }
0x53: {  	[tilespmem:s12], [sflag:$0xC] =	stream.linear.gather [hbm4b:s6+s4], $0x280, $0x38;
	[tilespmem:$0x1E880] =	vst v63  }
0x54: {  	s13 =	simm.s32 $0x0;
	_ =	swait.ge [sflag:s31], $0x1900  }
0x55: {  	s12 =	sand.u32 $0x400, s13;
	[sflag:s31] =	ssyncset.done $0x0  }
0x56: {  	s13 =	sor.u32 $0x800, s12;
	[sflag:s31] =	ssyncadd.s32 $0xFFFFE700  }
0x57: {  	[spmem:s3] =	stream.indirect.scatter.add.f32 [tilespmem:s21], [sflag:$0x6], $0x80, s13, s20, $0xb8;
	[tilespmem:$0x1E880] =	vst v63  }
0x58: {  	_ =	swait.ge [sflag:s0], $0x1900  }
0x59: {  	[sflag:s0] =	ssyncset.done $0x0  }
0x5a: {  	s14 =	sor.u32 $0x880, s12;
	[sflag:s0] =	ssyncadd.s32 $0xFFFFE700  }
0x5b: {  	[spmem:s3] =	stream.indirect.scatter.add.f32 [tilespmem:s23], [sflag:$0x7], $0x80, s14, s20, $0xb8;
	[tilespmem:$0x1E880] =	vst v63  }
0x5c: {  	_ =	swait.ge [sflag:s17], $0x1900  }
0x5d: {  	[sflag:s17] =	ssyncset.done $0x0  }
0x5e: {  	s10 =	sor.u32 $0x900, s12;
	[sflag:s17] =	ssyncadd.s32 $0xFFFFE700  }
0x5f: {  	[spmem:s3] =	stream.indirect.scatter.add.f32 [tilespmem:s25], [sflag:$0x8], $0x80, s10, s20, $0xb8;
	[tilespmem:$0x1E880] =	vst v63  }
0x60: {  	_ =	swait.ge [sflag:s22], $0x1900  }
0x61: {  	[sflag:s22] =	ssyncset.done $0x0  }
0x62: {  	s14 =	sor.u32 $0x980, s12;
	[sflag:s22] =	ssyncadd.s32 $0xFFFFE700  }
0x63: {  	[spmem:s3] =	stream.indirect.scatter.add.f32 [tilespmem:s28], [sflag:$0x9], $0x80, s14, s20, $0xb8;
	[tilespmem:$0x1E880] =	vst v63  }
0x64: {  	_ =	swait.ge [sflag:s24], $0x1900  }
0x65: {  	[sflag:s24] =	ssyncset.done $0x0  }
0x66: {  	s12 =	sor.u32 $0xA00, s12;
	[sflag:s24] =	ssyncadd.s32 $0xFFFFE700  }
0x67: {  	[spmem:s3] =	stream.indirect.scatter.add.f32 [tilespmem:s30], [sflag:$0xA], $0x80, s12, s20, $0xb8;
	[tilespmem:$0x1E880] =	vst v63  }
0x68: {  	_ =	swait.ge [sflag:s18], $0x280  }
0x69: {  	[sflag:s18] =	ssyncset.done $0x0  }
0x6a: {  	[sflag:s18] =	ssyncadd.s32 $0xFFFFFD80  }
0x6b: {  	_ =	swait.ge [sflag:s19], $0x280  }
0x6c: {  	[sflag:s19] =	ssyncset.done $0x0  }
0x6d: {  	[sflag:s19] =	ssyncadd.s32 $0xFFFFFD80  }
0x6e: {  	_ =	swait.ge [sflag:s26], $0x1900  }
0x6f: {  	[sflag:s26] =	ssyncset.done $0x0  }
0x70: {  	[sflag:s26] =	ssyncadd.s32 $0xFFFFE700  }
0x71: {  	[tilespmem:s21], [sflag:$0x1] =	stream.indirect.gather [hbm4b:s1+s20], $0x80, s11, s20, $0xb8;
	[tilespmem:$0x1E880] =	vst v63  }
0x72: {  	_ =	swait.ge [sflag:s29], $0x1900  }
0x73: {  	[sflag:s29] =	ssyncset.done $0x0  }
0x74: {  	s10 =	sor.u32 $0x80, s11;
	[sflag:s29] =	ssyncadd.s32 $0xFFFFE700  }
0x75: {  	[tilespmem:s23], [sflag:$0x2] =	stream.indirect.gather [hbm4b:s1+s20], $0x80, s10, s20, $0xb8;
	[tilespmem:$0x1E880] =	vst v63  }
0x76: {  	_ =	swait.ge [sflag:s5], $0x1900  }
0x77: {  	[sflag:s5] =	ssyncset.done $0x0  }
0x78: {  	s13 =	sor.u32 $0x100, s11;
	[sflag:s5] =	ssyncadd.s32 $0xFFFFE700  }
0x79: {  	[tilespmem:s25], [sflag:$0x3] =	stream.indirect.gather [hbm4b:s1+s20], $0x80, s13, s20, $0xb8;
	[tilespmem:$0x1E880] =	vst v63  }
0x7a: {  	_ =	swait.ge [sflag:s7], $0x1900  }
0x7b: {  	[sflag:s7] =	ssyncset.done $0x0  }
0x7c: {  	s14 =	sor.u32 $0x180, s11;
	[sflag:s7] =	ssyncadd.s32 $0xFFFFE700  }
0x7d: {  	[tilespmem:s28], [sflag:$0x4] =	stream.indirect.gather [hbm4b:s1+s20], $0x80, s14, s20, $0xb8;
	[tilespmem:$0x1E880] =	vst v63  }
0x7e: {  	_ =	swait.ge [sflag:s8], $0x1900  }
0x7f: {  	s12 =	sor.u32 $0x200, s11;
	s11 =	sadd.s32 $0x80, s6;
	[sflag:s8] =	ssyncset.done $0x0  }
0x80: {  	s13 =	simm.s32 $0x800;
	s14 =	sadd.s32 $0x80, s9;
	[sflag:s8] =	ssyncadd.s32 $0xFFFFE700  }
.LBB2_7:
0x81: {  	[tilespmem:s30], [sflag:$0x5] =	stream.indirect.gather [hbm4b:s1+s20], $0x80, s12, s20, $0xb8;
	[tilespmem:$0x1E880] =	vst v63  }
0x82: {  	s6 =	smov.u32 s13  }
0x83: {  	p1 =	sne.s32 s13, $0x13C00;
	s13 =	sadd.s32 $0x400, s13;
	s12 =	sand.u32 $0x400, s6  }
0x84: {  	[tilespmem:s12], [sflag:$0xB] =	stream.linear.gather [hbm4b:s14+s4], $0x280, $0x38;
	[tilespmem:$0x1E880] =	vst v63  }
0x85: {  	s10 =	sor.u32 $0x800, s12  }
0x86: {  	[tilespmem:s10], [sflag:$0xC] =	stream.linear.gather [hbm4b:s11+s4], $0x280, $0x38;
	[tilespmem:$0x1E880] =	vst v63  }
0x87: {  	s6 =	sadd.s32 $0xFFFFFC00, s6;
	_ =	swait.ge [sflag:s31], $0x1900  }
0x88: {  	s6 =	sand.u32 $0x400, s6;
	[sflag:s31] =	ssyncset.done $0x0  }
0x89: {  	s10 =	sor.u32 $0x800, s6;
	[sflag:s31] =	ssyncadd.s32 $0xFFFFE700  }
0x8a: {  	[spmem:s3] =	stream.indirect.scatter.add.f32 [tilespmem:s21], [sflag:$0x6], $0x80, s10, s20, $0xb8;
	[tilespmem:$0x1E880] =	vst v63  }
0x8b: {  	_ =	swait.ge [sflag:s0], $0x1900  }
0x8c: {  	[sflag:s0] =	ssyncset.done $0x0  }
0x8d: {  	s10 =	sor.u32 $0x880, s6;
	[sflag:s0] =	ssyncadd.s32 $0xFFFFE700  }
0x8e: {  	[spmem:s3] =	stream.indirect.scatter.add.f32 [tilespmem:s23], [sflag:$0x7], $0x80, s10, s20, $0xb8;
	[tilespmem:$0x1E880] =	vst v63  }
0x8f: {  	_ =	swait.ge [sflag:s17], $0x1900  }
0x90: {  	[sflag:s17] =	ssyncset.done $0x0  }
0x91: {  	s10 =	sor.u32 $0x900, s6;
	[sflag:s17] =	ssyncadd.s32 $0xFFFFE700  }
0x92: {  	[spmem:s3] =	stream.indirect.scatter.add.f32 [tilespmem:s25], [sflag:$0x8], $0x80, s10, s20, $0xb8;
	[tilespmem:$0x1E880] =	vst v63  }
0x93: {  	_ =	swait.ge [sflag:s22], $0x1900  }
0x94: {  	[sflag:s22] =	ssyncset.done $0x0  }
0x95: {  	s10 =	sor.u32 $0x980, s6;
	[sflag:s22] =	ssyncadd.s32 $0xFFFFE700  }
0x96: {  	[spmem:s3] =	stream.indirect.scatter.add.f32 [tilespmem:s28], [sflag:$0x9], $0x80, s10, s20, $0xb8;
	[tilespmem:$0x1E880] =	vst v63  }
0x97: {  	_ =	swait.ge [sflag:s24], $0x1900  }
0x98: {  	[sflag:s24] =	ssyncset.done $0x0  }
0x99: {  	s6 =	sor.u32 $0xA00, s6;
	[sflag:s24] =	ssyncadd.s32 $0xFFFFE700  }
0x9a: {  	[spmem:s3] =	stream.indirect.scatter.add.f32 [tilespmem:s30], [sflag:$0xA], $0x80, s6, s20, $0xb8;
	[tilespmem:$0x1E880] =	vst v63  }
0x9b: {  	_ =	swait.ge [sflag:s18], $0x280  }
0x9c: {  	[sflag:s18] =	ssyncset.done $0x0  }
0x9d: {  	[sflag:s18] =	ssyncadd.s32 $0xFFFFFD80  }
0x9e: {  	_ =	swait.ge [sflag:s19], $0x280  }
0x9f: {  	[sflag:s19] =	ssyncset.done $0x0  }
0xa0: {  	[sflag:s19] =	ssyncadd.s32 $0xFFFFFD80  }
0xa1: {  	_ =	swait.ge [sflag:s26], $0x1900  }
0xa2: {  	[sflag:s26] =	ssyncset.done $0x0  }
0xa3: {  	[sflag:s26] =	ssyncadd.s32 $0xFFFFE700  }
0xa4: {  	[tilespmem:s21], [sflag:$0x1] =	stream.indirect.gather [hbm4b:s1+s20], $0x80, s12, s20, $0xb8;
	[tilespmem:$0x1E880] =	vst v63  }
0xa5: {  	_ =	swait.ge [sflag:s29], $0x1900  }
0xa6: {  	[sflag:s29] =	ssyncset.done $0x0  }
0xa7: {  	s6 =	sor.u32 $0x80, s12;
	[sflag:s29] =	ssyncadd.s32 $0xFFFFE700  }
0xa8: {  	[tilespmem:s23], [sflag:$0x2] =	stream.indirect.gather [hbm4b:s1+s20], $0x80, s6, s20, $0xb8;
	[tilespmem:$0x1E880] =	vst v63  }
0xa9: {  	_ =	swait.ge [sflag:s5], $0x1900  }
0xaa: {  	[sflag:s5] =	ssyncset.done $0x0  }
0xab: {  	s6 =	sor.u32 $0x100, s12;
	[sflag:s5] =	ssyncadd.s32 $0xFFFFE700  }
0xac: {  	[tilespmem:s25], [sflag:$0x3] =	stream.indirect.gather [hbm4b:s1+s20], $0x80, s6, s20, $0xb8;
	[tilespmem:$0x1E880] =	vst v63  }
0xad: {  	_ =	swait.ge [sflag:s7], $0x1900  }
0xae: {  	[sflag:s7] =	ssyncset.done $0x0  }
.Ltmp6:
0xaf: {  	s6 =	sor.u32 $0x180, s12;
	[sflag:s7] =	ssyncadd.s32 $0xFFFFE700;
	(pc) =	sbr.rel @p1 .LBB2_7-.Ltmp6, $4  }
0xb0: {  	[tilespmem:s28], [sflag:$0x4] =	stream.indirect.gather [hbm4b:s1+s20], $0x80, s6, s20, $0xb8;
	[tilespmem:$0x1E880] =	vst v63  }
0xb1: {  	_ =	swait.ge [sflag:s8], $0x1900  }
0xb2: {  	s14 =	sadd.s32 $0x80, s14;
	[sflag:s8] =	ssyncset.done $0x0  }
0xb3: {  	s11 =	sadd.s32 $0x80, s11;
	s12 =	sor.u32 $0x200, s12;
	[sflag:s8] =	ssyncadd.s32 $0xFFFFE700  }
0xb4: {  	[tilespmem:s30], [sflag:$0x5] =	stream.indirect.gather [hbm4b:s1+s20], $0x80, s12, s20, $0xb8;
	[tilespmem:$0x1E880] =	vst v63  }
0xb5: {  	_ =	swait.ge [sflag:s31], $0x1900  }
0xb6: {  	[sflag:s31] =	ssyncset.done $0x0  }
0xb7: {  	s6 =	simm.s32 $0xC00;
	[sflag:s31] =	ssyncadd.s32 $0xFFFFE700  }
0xb8: {  	[spmem:s3] =	stream.indirect.scatter.add.f32 [tilespmem:s21], [sflag:$0x6], $0x80, s6, s20, $0xb8;
	[tilespmem:$0x1E880] =	vst v63  }
0xb9: {  	_ =	swait.ge [sflag:s0], $0x1900  }
0xba: {  	[sflag:s0] =	ssyncset.done $0x0  }
0xbb: {  	s9 =	simm.s32 $0xC80;
	[sflag:s0] =	ssyncadd.s32 $0xFFFFE700  }
0xbc: {  	[spmem:s3] =	stream.indirect.scatter.add.f32 [tilespmem:s23], [sflag:$0x7], $0x80, s9, s20, $0xb8;
	[tilespmem:$0x1E880] =	vst v63  }
0xbd: {  	_ =	swait.ge [sflag:s17], $0x1900  }
0xbe: {  	[sflag:s17] =	ssyncset.done $0x0  }
0xbf: {  	s10 =	simm.s32 $0xD00;
	[sflag:s17] =	ssyncadd.s32 $0xFFFFE700  }
0xc0: {  	[spmem:s3] =	stream.indirect.scatter.add.f32 [tilespmem:s25], [sflag:$0x8], $0x80, s10, s20, $0xb8;
	[tilespmem:$0x1E880] =	vst v63  }
0xc1: {  	_ =	swait.ge [sflag:s22], $0x1900  }
0xc2: {  	[sflag:s22] =	ssyncset.done $0x0  }
0xc3: {  	s11 =	simm.s32 $0xD80;
	[sflag:s22] =	ssyncadd.s32 $0xFFFFE700  }
0xc4: {  	[spmem:s3] =	stream.indirect.scatter.add.f32 [tilespmem:s28], [sflag:$0x9], $0x80, s11, s20, $0xb8;
	[tilespmem:$0x1E880] =	vst v63  }
0xc5: {  	_ =	swait.ge [sflag:s24], $0x1900  }
0xc6: {  	[sflag:s24] =	ssyncset.done $0x0  }
0xc7: {  	s12 =	simm.s32 $0xE00;
	[sflag:s24] =	ssyncadd.s32 $0xFFFFE700  }
0xc8: {  	[spmem:s3] =	stream.indirect.scatter.add.f32 [tilespmem:s30], [sflag:$0xA], $0x80, s12, s20, $0xb8;
	[tilespmem:$0x1E880] =	vst v63  }
0xc9: {  	_ =	swait.ge [sflag:s26], $0x1900  }
0xca: {  	[sflag:s26] =	ssyncset.done $0x0  }
0xcb: {  	[sflag:s26] =	ssyncadd.s32 $0xFFFFE700  }
0xcc: {  	_ =	swait.ge [sflag:s29], $0x1900  }
0xcd: {  	[sflag:s29] =	ssyncset.done $0x0  }
0xce: {  	[sflag:s29] =	ssyncadd.s32 $0xFFFFE700  }
0xcf: {  	_ =	swait.ge [sflag:s5], $0x1900  }
0xd0: {  	[sflag:s5] =	ssyncset.done $0x0  }
0xd1: {  	[sflag:s5] =	ssyncadd.s32 $0xFFFFE700  }
0xd2: {  	_ =	swait.ge [sflag:s7], $0x1900  }
0xd3: {  	[sflag:s7] =	ssyncset.done $0x0  }
0xd4: {  	[sflag:s7] =	ssyncadd.s32 $0xFFFFE700  }
0xd5: {  	_ =	swait.ge [sflag:s8], $0x1900  }
0xd6: {  	[sflag:s8] =	ssyncset.done $0x0  }
0xd7: {  	[sflag:s8] =	ssyncadd.s32 $0xFFFFE700  }
0xd8: {  	s13 =	stileid.u32;
	[bflag:$0x0] =	sbarrier.arrive $0xFFFF  }
0xd9: {  	s6 =	sshll.u32 s13, $0x6;
	s10 =	rddreg [dreg:$0xb]  }
0xda: {  	s11 =	sor.u32 $0x1C0D, s6;
	s9 =	rddreg [dreg:$0xf];
	s14 =	sshrl.u32 s10, $0x3  }
0xdb: {  	[hbm:s9], [sflag:s11] =	dma.local [spmem:s14], $0x280  }
0xdc: {  	s6 =	rddreg [dreg:$0x7]  }
0xdd: {  	p1 =	seq.s32 s6, $0x1  }
.Ltmp7:
0xde: {  	_ = 	snop;
	(pc) =	sbr.rel @p1 .LBB2_10-.Ltmp7, $3  }
0xdf: {  	_ =	sdelay $0x1  }
0xe0: {  	s13 =	sadd.s32 $0x2800, s9  }
0xe1: {  	s14 =	smov.u32 s10;
	_ =	swait.ge [sflag:s16], $0x280;
	s12 =	sadd.s32 $0xFFFFFFFF, s6  }
.LBB2_9:
0xe2: {  	[sflag:s16] =	ssyncset.done $0x0;
	s14 =	sadd.s32 $0x14000, s14;
	p1 =	seq.s32 s12, $0x1  }
.Ltmp8:
0xe3: {  	s6 =	sshrl.u32 s14, $0x3;
	[sflag:s16] =	ssyncadd.s32 $0xFFFFFD80;
	(pc) =	sbr.rel @!p1 .LBB2_9-.Ltmp8, $3  }
0xe4: {  	[hbm:s13], [sflag:s11] =	dma.local [spmem:s6], $0x280  }
0xe5: {  	s12 =	sadd.s32 $0xFFFFFFFF, s12;
	_ =	sdelay $0x1  }
0xe6: {  	s13 =	sadd.s32 $0x2800, s13;
	_ =	swait.ge [sflag:s16], $0x280  }
.LBB2_10:
.Ltmp9:
0xe7: {  	(pc) =	sbr.rel .LBB2_16-.Ltmp9, $3  }
0xe8: {  	_ =	sdelay $0x1  }
0xe9: {  	[sflag:s16] =	ssyncset.done $0x0  }
0xea: {  	s9 =	rddreg [dreg:$0x10];
	[sflag:s16] =	ssyncadd.s32 $0xFFFFFD80  }
.LBB2_11:
0xeb: {  	[tilespmem:s21], [sflag:$0x1] =	stream.indirect.gather [hbm4b:s2+s20], $0x80, s4, s20, $0xb8;
	[tilespmem:$0x1E880] =	vst v63  }
0xec: {  	s6 =	simm.s32 $0x80  }
0xed: {  	[tilespmem:s23], [sflag:$0x2] =	stream.indirect.gather [hbm4b:s2+s20], $0x80, s6, s20, $0xb8;
	[tilespmem:$0x1E880] =	vst v63  }
0xee: {  	s9 =	simm.s32 $0x100  }
0xef: {  	[tilespmem:s25], [sflag:$0x3] =	stream.indirect.gather [hbm4b:s2+s20], $0x80, s9, s20, $0xb8;
	[tilespmem:$0x1E880] =	vst v63  }
0xf0: {  	s10 =	simm.s32 $0x180  }
0xf1: {  	[tilespmem:s28], [sflag:$0x4] =	stream.indirect.gather [hbm4b:s2+s20], $0x80, s10, s20, $0xb8;
	[tilespmem:$0x1E880] =	vst v63  }
0xf2: {  	s11 =	simm.s32 $0x200;
	s12 =	simm.s32 $0x400  }
0xf3: {  	[tilespmem:s30], [sflag:$0x5] =	stream.indirect.gather [hbm4b:s2+s20], $0x80, s11, s20, $0xb8;
	[tilespmem:$0x1E880] =	vst v63  }
0xf4: {  	s6 =	sand.u32 $0x400, s12;
	s12 =	rddreg [dreg:$0xd]  }
0xf5: {  	[tilespmem:s6], [sflag:$0xB] =	stream.linear.gather [hbm4b:s12+s4], $0x280, $0x38;
	[tilespmem:$0x1E880] =	vst v63  }
0xf6: {  	s9 =	rddreg [dreg:$0xc];
	s10 =	sor.u32 $0x800, s6  }
0xf7: {  	[tilespmem:s10], [sflag:$0xC] =	stream.linear.gather [hbm4b:s9+s4], $0x280, $0x38;
	[tilespmem:$0x1E880] =	vst v63  }
0xf8: {  	s13 =	simm.s32 $0x0;
	_ =	swait.ge [sflag:s31], $0x1900  }
0xf9: {  	s10 =	sand.u32 $0x400, s13;
	[sflag:s31] =	ssyncset.done $0x0  }
0xfa: {  	s11 =	sor.u32 $0x800, s10;
	[sflag:s31] =	ssyncadd.s32 $0xFFFFE700  }
0xfb: {  	[spmem:s3] =	stream.indirect.scatter.add.f32 [tilespmem:s21], [sflag:$0x6], $0x80, s11, s20, $0xb8;
	[tilespmem:$0x1E880] =	vst v63  }
0xfc: {  	_ =	swait.ge [sflag:s0], $0x1900  }
0xfd: {  	[sflag:s0] =	ssyncset.done $0x0  }
0xfe: {  	s14 =	sor.u32 $0x880, s10;
	[sflag:s0] =	ssyncadd.s32 $0xFFFFE700  }
0xff: {  	[spmem:s3] =	stream.indirect.scatter.add.f32 [tilespmem:s23], [sflag:$0x7], $0x80, s14, s20, $0xb8;
	[tilespmem:$0x1E880] =	vst v63  }
0x100: {  	_ =	swait.ge [sflag:s17], $0x1900  }
0x101: {  	[sflag:s17] =	ssyncset.done $0x0  }
0x102: {  	s13 =	sor.u32 $0x900, s10;
	[sflag:s17] =	ssyncadd.s32 $0xFFFFE700  }
0x103: {  	[spmem:s3] =	stream.indirect.scatter.add.f32 [tilespmem:s25], [sflag:$0x8], $0x80, s13, s20, $0xb8;
	[tilespmem:$0x1E880] =	vst v63  }
0x104: {  	_ =	swait.ge [sflag:s22], $0x1900  }
0x105: {  	[sflag:s22] =	ssyncset.done $0x0  }
0x106: {  	s14 =	sor.u32 $0x980, s10;
	[sflag:s22] =	ssyncadd.s32 $0xFFFFE700  }
0x107: {  	[spmem:s3] =	stream.indirect.scatter.add.f32 [tilespmem:s28], [sflag:$0x9], $0x80, s14, s20, $0xb8;
	[tilespmem:$0x1E880] =	vst v63  }
0x108: {  	_ =	swait.ge [sflag:s24], $0x1900  }
0x109: {  	[sflag:s24] =	ssyncset.done $0x0  }
0x10a: {  	s10 =	sor.u32 $0xA00, s10;
	[sflag:s24] =	ssyncadd.s32 $0xFFFFE700  }
0x10b: {  	[spmem:s3] =	stream.indirect.scatter.add.f32 [tilespmem:s30], [sflag:$0xA], $0x80, s10, s20, $0xb8;
	[tilespmem:$0x1E880] =	vst v63  }
0x10c: {  	_ =	swait.ge [sflag:s18], $0x280  }
0x10d: {  	[sflag:s18] =	ssyncset.done $0x0  }
0x10e: {  	[sflag:s18] =	ssyncadd.s32 $0xFFFFFD80  }
0x10f: {  	_ =	swait.ge [sflag:s19], $0x280  }
0x110: {  	[sflag:s19] =	ssyncset.done $0x0  }
0x111: {  	[sflag:s19] =	ssyncadd.s32 $0xFFFFFD80  }
0x112: {  	_ =	swait.ge [sflag:s26], $0x1900  }
0x113: {  	[sflag:s26] =	ssyncset.done $0x0  }
0x114: {  	[sflag:s26] =	ssyncadd.s32 $0xFFFFE700  }
0x115: {  	[tilespmem:s21], [sflag:$0x1] =	stream.indirect.gather [hbm4b:s2+s20], $0x80, s6, s20, $0xb8;
	[tilespmem:$0x1E880] =	vst v63  }
0x116: {  	_ =	swait.ge [sflag:s29], $0x1900  }
0x117: {  	[sflag:s29] =	ssyncset.done $0x0  }
0x118: {  	s11 =	sor.u32 $0x80, s6;
	[sflag:s29] =	ssyncadd.s32 $0xFFFFE700  }
0x119: {  	[tilespmem:s23], [sflag:$0x2] =	stream.indirect.gather [hbm4b:s2+s20], $0x80, s11, s20, $0xb8;
	[tilespmem:$0x1E880] =	vst v63  }
0x11a: {  	_ =	swait.ge [sflag:s5], $0x1900  }
0x11b: {  	[sflag:s5] =	ssyncset.done $0x0  }
0x11c: {  	s13 =	sor.u32 $0x100, s6;
	[sflag:s5] =	ssyncadd.s32 $0xFFFFE700  }
0x11d: {  	[tilespmem:s25], [sflag:$0x3] =	stream.indirect.gather [hbm4b:s2+s20], $0x80, s13, s20, $0xb8;
	[tilespmem:$0x1E880] =	vst v63  }
0x11e: {  	_ =	swait.ge [sflag:s7], $0x1900  }
0x11f: {  	[sflag:s7] =	ssyncset.done $0x0  }
0x120: {  	s14 =	sor.u32 $0x180, s6;
	[sflag:s7] =	ssyncadd.s32 $0xFFFFE700  }
0x121: {  	[tilespmem:s28], [sflag:$0x4] =	stream.indirect.gather [hbm4b:s2+s20], $0x80, s14, s20, $0xb8;
	[tilespmem:$0x1E880] =	vst v63  }
0x122: {  	_ =	swait.ge [sflag:s8], $0x1900  }
0x123: {  	s11 =	sadd.s32 $0x80, s9;
	s13 =	simm.s32 $0x800;
	[sflag:s8] =	ssyncset.done $0x0  }
0x124: {  	s14 =	sadd.s32 $0x80, s12;
	s12 =	sor.u32 $0x200, s6;
	[sflag:s8] =	ssyncadd.s32 $0xFFFFE700  }
.LBB2_12:
0x125: {  	[tilespmem:s30], [sflag:$0x5] =	stream.indirect.gather [hbm4b:s2+s20], $0x80, s12, s20, $0xb8;
	[tilespmem:$0x1E880] =	vst v63  }
0x126: {  	s6 =	smov.u32 s13  }
0x127: {  	p2 =	seq.s32 s13, $0x13C00;
	s13 =	sadd.s32 $0x400, s13;
	s12 =	sand.u32 $0x400, s6  }
0x128: {  	[tilespmem:s12], [sflag:$0xB] =	stream.linear.gather [hbm4b:s14+s4], $0x280, $0x38;
	[tilespmem:$0x1E880] =	vst v63  }
0x129: {  	s10 =	sor.u32 $0x800, s12  }
0x12a: {  	[tilespmem:s10], [sflag:$0xC] =	stream.linear.gather [hbm4b:s11+s4], $0x280, $0x38;
	[tilespmem:$0x1E880] =	vst v63  }
0x12b: {  	s6 =	sadd.s32 $0xFFFFFC00, s6;
	_ =	swait.ge [sflag:s31], $0x1900  }
0x12c: {  	s6 =	sand.u32 $0x400, s6;
	[sflag:s31] =	ssyncset.done $0x0  }
0x12d: {  	s10 =	sor.u32 $0x800, s6;
	[sflag:s31] =	ssyncadd.s32 $0xFFFFE700  }
0x12e: {  	[spmem:s3] =	stream.indirect.scatter.add.f32 [tilespmem:s21], [sflag:$0x6], $0x80, s10, s20, $0xb8;
	[tilespmem:$0x1E880] =	vst v63  }
0x12f: {  	_ =	swait.ge [sflag:s0], $0x1900  }
0x130: {  	[sflag:s0] =	ssyncset.done $0x0  }
0x131: {  	s10 =	sor.u32 $0x880, s6;
	[sflag:s0] =	ssyncadd.s32 $0xFFFFE700  }
0x132: {  	[spmem:s3] =	stream.indirect.scatter.add.f32 [tilespmem:s23], [sflag:$0x7], $0x80, s10, s20, $0xb8;
	[tilespmem:$0x1E880] =	vst v63  }
0x133: {  	_ =	swait.ge [sflag:s17], $0x1900  }
0x134: {  	[sflag:s17] =	ssyncset.done $0x0  }
0x135: {  	s10 =	sor.u32 $0x900, s6;
	[sflag:s17] =	ssyncadd.s32 $0xFFFFE700  }
0x136: {  	[spmem:s3] =	stream.indirect.scatter.add.f32 [tilespmem:s25], [sflag:$0x8], $0x80, s10, s20, $0xb8;
	[tilespmem:$0x1E880] =	vst v63  }
0x137: {  	_ =	swait.ge [sflag:s22], $0x1900  }
0x138: {  	[sflag:s22] =	ssyncset.done $0x0  }
0x139: {  	s10 =	sor.u32 $0x980, s6;
	[sflag:s22] =	ssyncadd.s32 $0xFFFFE700  }
0x13a: {  	[spmem:s3] =	stream.indirect.scatter.add.f32 [tilespmem:s28], [sflag:$0x9], $0x80, s10, s20, $0xb8;
	[tilespmem:$0x1E880] =	vst v63  }
0x13b: {  	_ =	swait.ge [sflag:s24], $0x1900  }
0x13c: {  	[sflag:s24] =	ssyncset.done $0x0  }
0x13d: {  	s6 =	sor.u32 $0xA00, s6;
	[sflag:s24] =	ssyncadd.s32 $0xFFFFE700  }
0x13e: {  	[spmem:s3] =	stream.indirect.scatter.add.f32 [tilespmem:s30], [sflag:$0xA], $0x80, s6, s20, $0xb8;
	[tilespmem:$0x1E880] =	vst v63  }
0x13f: {  	_ =	swait.ge [sflag:s18], $0x280  }
0x140: {  	[sflag:s18] =	ssyncset.done $0x0  }
0x141: {  	[sflag:s18] =	ssyncadd.s32 $0xFFFFFD80  }
0x142: {  	_ =	swait.ge [sflag:s19], $0x280  }
0x143: {  	[sflag:s19] =	ssyncset.done $0x0  }
0x144: {  	[sflag:s19] =	ssyncadd.s32 $0xFFFFFD80  }
0x145: {  	_ =	swait.ge [sflag:s26], $0x1900  }
0x146: {  	[sflag:s26] =	ssyncset.done $0x0  }
0x147: {  	[sflag:s26] =	ssyncadd.s32 $0xFFFFE700  }
0x148: {  	[tilespmem:s21], [sflag:$0x1] =	stream.indirect.gather [hbm4b:s2+s20], $0x80, s12, s20, $0xb8;
	[tilespmem:$0x1E880] =	vst v63  }
0x149: {  	_ =	swait.ge [sflag:s29], $0x1900  }
0x14a: {  	[sflag:s29] =	ssyncset.done $0x0  }
0x14b: {  	s6 =	sor.u32 $0x80, s12;
	[sflag:s29] =	ssyncadd.s32 $0xFFFFE700  }
0x14c: {  	[tilespmem:s23], [sflag:$0x2] =	stream.indirect.gather [hbm4b:s2+s20], $0x80, s6, s20, $0xb8;
	[tilespmem:$0x1E880] =	vst v63  }
0x14d: {  	_ =	swait.ge [sflag:s5], $0x1900  }
0x14e: {  	[sflag:s5] =	ssyncset.done $0x0  }
0x14f: {  	s6 =	sor.u32 $0x100, s12;
	[sflag:s5] =	ssyncadd.s32 $0xFFFFE700  }
0x150: {  	[tilespmem:s25], [sflag:$0x3] =	stream.indirect.gather [hbm4b:s2+s20], $0x80, s6, s20, $0xb8;
	[tilespmem:$0x1E880] =	vst v63  }
0x151: {  	_ =	swait.ge [sflag:s7], $0x1900  }
0x152: {  	[sflag:s7] =	ssyncset.done $0x0  }
.Ltmp10:
0x153: {  	s6 =	sor.u32 $0x180, s12;
	[sflag:s7] =	ssyncadd.s32 $0xFFFFE700;
	(pc) =	sbr.rel @!p2 .LBB2_12-.Ltmp10, $4  }
0x154: {  	[tilespmem:s28], [sflag:$0x4] =	stream.indirect.gather [hbm4b:s2+s20], $0x80, s6, s20, $0xb8;
	[tilespmem:$0x1E880] =	vst v63  }
0x155: {  	_ =	swait.ge [sflag:s8], $0x1900  }
0x156: {  	s14 =	sadd.s32 $0x80, s14;
	[sflag:s8] =	ssyncset.done $0x0  }
0x157: {  	s11 =	sadd.s32 $0x80, s11;
	s12 =	sor.u32 $0x200, s12;
	[sflag:s8] =	ssyncadd.s32 $0xFFFFE700  }
0x158: {  	[tilespmem:s30], [sflag:$0x5] =	stream.indirect.gather [hbm4b:s2+s20], $0x80, s12, s20, $0xb8;
	[tilespmem:$0x1E880] =	vst v63  }
0x159: {  	_ =	swait.ge [sflag:s31], $0x1900  }
0x15a: {  	[sflag:s31] =	ssyncset.done $0x0  }
0x15b: {  	s6 =	simm.s32 $0xC00;
	[sflag:s31] =	ssyncadd.s32 $0xFFFFE700  }
0x15c: {  	[spmem:s3] =	stream.indirect.scatter.add.f32 [tilespmem:s21], [sflag:$0x6], $0x80, s6, s20, $0xb8;
	[tilespmem:$0x1E880] =	vst v63  }
0x15d: {  	_ =	swait.ge [sflag:s0], $0x1900  }
0x15e: {  	[sflag:s0] =	ssyncset.done $0x0  }
0x15f: {  	s9 =	simm.s32 $0xC80;
	[sflag:s0] =	ssyncadd.s32 $0xFFFFE700  }
0x160: {  	[spmem:s3] =	stream.indirect.scatter.add.f32 [tilespmem:s23], [sflag:$0x7], $0x80, s9, s20, $0xb8;
	[tilespmem:$0x1E880] =	vst v63  }
0x161: {  	_ =	swait.ge [sflag:s17], $0x1900  }
0x162: {  	[sflag:s17] =	ssyncset.done $0x0  }
0x163: {  	s10 =	simm.s32 $0xD00;
	[sflag:s17] =	ssyncadd.s32 $0xFFFFE700  }
0x164: {  	[spmem:s3] =	stream.indirect.scatter.add.f32 [tilespmem:s25], [sflag:$0x8], $0x80, s10, s20, $0xb8;
	[tilespmem:$0x1E880] =	vst v63  }
0x165: {  	_ =	swait.ge [sflag:s22], $0x1900  }
0x166: {  	[sflag:s22] =	ssyncset.done $0x0  }
0x167: {  	s11 =	simm.s32 $0xD80;
	[sflag:s22] =	ssyncadd.s32 $0xFFFFE700  }
0x168: {  	[spmem:s3] =	stream.indirect.scatter.add.f32 [tilespmem:s28], [sflag:$0x9], $0x80, s11, s20, $0xb8;
	[tilespmem:$0x1E880] =	vst v63  }
0x169: {  	_ =	swait.ge [sflag:s24], $0x1900  }
0x16a: {  	[sflag:s24] =	ssyncset.done $0x0  }
0x16b: {  	s12 =	simm.s32 $0xE00;
	[sflag:s24] =	ssyncadd.s32 $0xFFFFE700  }
0x16c: {  	[spmem:s3] =	stream.indirect.scatter.add.f32 [tilespmem:s30], [sflag:$0xA], $0x80, s12, s20, $0xb8;
	[tilespmem:$0x1E880] =	vst v63  }
0x16d: {  	_ =	swait.ge [sflag:s26], $0x1900  }
0x16e: {  	[sflag:s26] =	ssyncset.done $0x0  }
0x16f: {  	[sflag:s26] =	ssyncadd.s32 $0xFFFFE700  }
0x170: {  	_ =	swait.ge [sflag:s29], $0x1900  }
0x171: {  	[sflag:s29] =	ssyncset.done $0x0  }
0x172: {  	[sflag:s29] =	ssyncadd.s32 $0xFFFFE700  }
0x173: {  	_ =	swait.ge [sflag:s5], $0x1900  }
0x174: {  	[sflag:s5] =	ssyncset.done $0x0  }
0x175: {  	[sflag:s5] =	ssyncadd.s32 $0xFFFFE700  }
0x176: {  	_ =	swait.ge [sflag:s7], $0x1900  }
0x177: {  	[sflag:s7] =	ssyncset.done $0x0  }
0x178: {  	[sflag:s7] =	ssyncadd.s32 $0xFFFFE700  }
0x179: {  	_ =	swait.ge [sflag:s8], $0x1900  }
0x17a: {  	[sflag:s8] =	ssyncset.done $0x0  }
0x17b: {  	[sflag:s8] =	ssyncadd.s32 $0xFFFFE700  }
0x17c: {  	s13 =	stileid.u32;
	[bflag:$0x0] =	sbarrier.arrive $0xFFFF  }
.Ltmp11:
0x17d: {  	s6 =	sshll.u32 s13, $0x6;
	s10 =	rddreg [dreg:$0xb];
	(pc) =	sbr.rel @!p1 .LBB2_15-.Ltmp11, $4  }
0x17e: {  	s11 =	sor.u32 $0x1C0D, s6;
	s9 =	rddreg [dreg:$0xe];
	s14 =	sshrl.u32 s10, $0x3  }
0x17f: {  	[hbm:s9], [sflag:s11] =	dma.local [spmem:s14], $0x280  }
0x180: {  	s13 =	sadd.s32 $0x2800, s9;
	s6 =	rddreg [dreg:$0x7]  }
0x181: {  	s14 =	smov.u32 s10;
	_ =	swait.ge [sflag:s16], $0x280;
	s12 =	sadd.s32 $0xFFFFFFFF, s6  }
.LBB2_14:
0x182: {  	[sflag:s16] =	ssyncset.done $0x0;
	s14 =	sadd.s32 $0x14000, s14;
	p1 =	sne.s32 s12, $0x1  }
.Ltmp12:
0x183: {  	s6 =	sshrl.u32 s14, $0x3;
	[sflag:s16] =	ssyncadd.s32 $0xFFFFFD80;
	(pc) =	sbr.rel @p1 .LBB2_14-.Ltmp12, $3  }
0x184: {  	[hbm:s13], [sflag:s11] =	dma.local [spmem:s6], $0x280  }
0x185: {  	s12 =	sadd.s32 $0xFFFFFFFF, s12;
	_ =	sdelay $0x1  }
0x186: {  	s13 =	sadd.s32 $0x2800, s13;
	_ =	swait.ge [sflag:s16], $0x280  }
.Ltmp13:
0x187: {  	_ = 	snop;
	(pc) =	sbr.rel .LBB2_15-.Ltmp13, $1  }
0x188: {  	_ =	sdelay $0x3  }
.LBB2_17:
0x189: {  	_ =	sfence.sel $0x180000  }
0x18a: {  	[bflag:$0x0] =	sbarrier.arrive $0xFFFF  }
0x18b: {  	_ =	strace $0x90000047  }
0x18c: {  	s0 =	stileid.u32;
	[bflag:$0x2] =	sbarrier.arrive $0xFFFF  }
0x18d: {  	p0 =	sne.s32 s0, $0x0;
	s0 =	rddreg [dreg:$0x6]  }
0x18e: {  	s0 =	sadd.s32 @!p0 $0x100000, s0  }
0x18f: {  	[sflag:s0] =	ssyncadd.tile.s32 @!p0 $0x1;
	_ =	shalt  }
.Lfunc_end2:
_tile_overlayer_lowered:
.L_overlay_start_2:
0x190: {  	(tag) =	ssettag $0x2  }
0x191: {  	s0 =	rddreg [dreg:$0x0];
	s2 =	stileid.u32  }
0x192: {  	s1 =	rddreg [dreg:$0x1];
	p0 =	sne.s32 s2, $0x0  }
0x193: {  	s3 =	rddreg [dreg:$0x2];
	[bflag:$0x3] =	sbarrier.arrive $0xFFFF;
	s2 =	simm.s32 @!p0 $0x1C0D  }
0x194: {  	[timem:s3], [sflag:s2] =	dma.local @!p0 [hbm:s0], s1  }
0x195: {  	s0 =	simm.s32 @!p0 $0xD  }
0x196: {  	_ =	swait.ge @!p0 [sflag:s0], s1  }
0x197: {  	s1 =	ssub.s32 @!p0 $0x0, s1;
	[sflag:s0] =	ssyncset.done @!p0 $0x0  }
0x198: {  	[sflag:s0] =	ssyncadd.s32 @!p0 s1  }
0x199: {  	[bflag:$0x3] =	sbarrier.arrive $0xFFFF  }
0x19a: {  	_ =	shalt  }

</sc_bundles>
